<compile_context>
chip_gen: v7x
topology: tpu7x:2x2x1
jax: 0.10.2.dev20260603
libtpu: 0.0.44.dev20260713+nightly
codegen_flags: <defaults>
</compile_context>

<pallas_src>
import functools

import jax
import jax.numpy as jnp
from jax import lax
from jax.experimental import pallas as pl
from jax.experimental.pallas import tpu as pltpu
from jax.experimental.pallas import tpu_sc as plsc

_NBUF = 8
_L = 16


@functools.cache
def _build(num_models: int, num_boxes: int, batch: int, dim: int):
  info = plsc.get_sparse_core_info()
  nc, ns = info.num_cores, info.num_subcores
  nw = nc * ns
  b_per_w = batch // nw
  ngrp = b_per_w // _NBUF
  row_w = num_models * 2 * dim
  stg_rows = b_per_w * row_w // 128
  mesh = plsc.VectorSubcoreMesh(core_axis_name="c", subcore_axis_name="s")

  @functools.partial(
      pl.kernel,
      mesh=mesh,
      out_type=jax.ShapeDtypeStruct((nw, stg_rows, 128), jnp.float32),
      scratch_types=[
          pltpu.VMEM((b_per_w + _L,), jnp.int32),
          pltpu.VMEM((_NBUF, num_models, 2, dim, 128), jnp.float32),
          pltpu.VMEM((stg_rows, 128), jnp.float32),
          pltpu.SemaphoreType.DMA,
      ],
      compiler_params=pltpu.CompilerParams(use_tc_tiling_on_sc=True,
                                           needs_layout_passes=False),
  )
  def gather(ids_hbm, bt_hbm, out_hbm, ids_v, buf_v, stg_v, sem):
    wid = lax.axis_index("s") * nc + lax.axis_index("c")
    base = wid * b_per_w
    pltpu.sync_copy(ids_hbm.at[pl.ds(base, b_per_w)],
                    ids_v.at[pl.ds(0, b_per_w)])

    def idat(j):
      return ids_v[pl.ds(j, _L)][0]

    def issue(j, slot):
      idv = idat(j)
      off = pl.multiple_of((idv >> 7) << 7, 128)
      pltpu.async_copy(bt_hbm.at[:, :, :, pl.ds(off, 128)],
                       buf_v.at[slot], sem)

    for b in range(_NBUF):
      issue(b, b)

    lane_iota = lax.iota(jnp.int32, _L)

    def group(g, carry):
      for b in range(_NBUF):
        j = g * _NBUF + b
        pltpu.make_async_copy(bt_hbm.at[:, :, :, pl.ds(0, 128)],
                              buf_v.at[b], sem).wait()
        idv = idat(j)
        col = jnp.full((_L,), idv & 127, jnp.int32)
        r = j // 2
        cbase = (j % 2) * row_w
        for m in range(num_models):
          for c in range(2):
            vals = plsc.load_gather(buf_v.at[b, m, c], [lane_iota, col])
            stg_v[r, pl.ds(cbase + (m * 2 + c) * dim, _L)] = vals

        @pl.when(g + 1 < ngrp)
        def _():
          issue(j + _NBUF, b)

      return carry

    lax.fori_loop(0, ngrp, group, 0)
    pltpu.sync_copy(stg_v, out_hbm.at[wid])

  return gather


def kernel(ids, boxes):
  num_models, num_boxes, two, dim = boxes.shape
  batch = ids.shape[0]
  bt = boxes.transpose(0, 2, 3, 1)
  out = _build(num_models, num_boxes, batch, dim)(ids.astype(jnp.int32), bt)
  nw = out.shape[0]
  out = out.reshape(nw, batch // nw, num_models, two, dim)
  return out.transpose(2, 0, 1, 3, 4).reshape(num_models, batch, two, dim)

# --- scband reference (transcript-rebuilt; emitter-appended) ---
"""Pipeline reference for scband-unit-boxes-90348932039326 (READ-ONLY COPY).

The authoritative reference and input builder live on the scoring server;
editing this copy changes nothing except your own understanding.
"""

import jax, jax.numpy as jnp
import numpy as np

NUM_MODELS = 2
NUM_BOXES = 1000000
DIM = 16
BATCH = 16384


def setup_inputs(seed: int = 0) -> dict:
    key = jax.random.key(seed)
    k1, k2, k3 = jax.random.split(key, 3)
    # Parameter construction mirrors torch __init__:
    # box_mins ~ U[0,1); box_maxs = box_mins + U[0,1) * (1 - box_mins)
    box_mins = jax.random.uniform(k1, (NUM_MODELS, NUM_BOXES, DIM), dtype=jnp.float32)
    box_maxs = box_mins + jax.random.uniform(k2, (NUM_MODELS, NUM_BOXES, DIM), dtype=jnp.float32) * (1.0 - box_mins)
    boxes = jnp.stack([box_mins, box_maxs], axis=2)  # [num_models, num_boxes, 2, dim]
    ids = jax.random.randint(k3, (BATCH,), 0, NUM_BOXES, dtype=jnp.int64 if jax.config.jax_enable_x64 else jnp.int32)
    return {"ids": ids, "boxes": boxes}


def reference(ids, boxes):
    # UnitBoxes.min_max(ids): boxes[:, ids] -> [num_models, len(ids), 2, dim]
    return jnp.take(boxes, ids, axis=1)

if __name__ == "__main__":
    import jax
    _d = setup_inputs()
    print(jax.jit(kernel)(*tuple(_d.values())))

</pallas_src>

<mosaic_0001>
#map = affine_map<(d0, d1) -> (0)>
#map1 = affine_map<(d0, d1) -> (0, 0, 0, 0)>
#map2 = affine_map<(d0, d1) -> (0, 0, 0)>
module attributes {stable_mosaic.version = 14 : i64} {
  func.func @gather(%arg0: i32, %arg1: i32, %arg2: memref<16384xi32, #tpu.memory_space<hbm>>, %arg3: memref<2x2x16x1000000xf32, #tpu.memory_space<hbm>>, %arg4: memref<32x256x128xf32, #tpu.memory_space<hbm>>, %arg5: memref<528xi32, #tpu.memory_space<vmem>>, %arg6: memref<8x2x2x16x128xf32, #tpu.memory_space<vmem>>, %arg7: memref<256x128xf32, #tpu.memory_space<vmem>>, %arg8: memref<!tpu.dma_semaphore, #tpu.memory_space<semaphore_mem>>) attributes {dimension_semantics = [#tpu.dimension_semantics<core_parallel>, #tpu.dimension_semantics<subcore_parallel>], iteration_bounds = array<i64: 2, 16>, scalar_prefetch = 0 : i64, scratch_operands = 4 : i64, tpu.core_type = #tpu.core_type<sc_vector_subcore>, window_params = [{transform_indices = #map}, {transform_indices = #map1}, {transform_indices = #map2}]} {
    %mul3A = arith.constant 2 : i32
    %mul3A_0 = arith.muli %arg1, %mul3A : i32
    %add3A = arith.addi %mul3A_0, %arg0 : i32
    %mul3A_1 = arith.constant 512 : i32
    %mul3A_2 = arith.muli %add3A, %mul3A_1 : i32
    "tpu.region"() ({
      %run_scoped3A = tpu.sem_alloc : memref<!tpu.dma_semaphore, #tpu.memory_space<semaphore_mem>>
      %dma_start3A_241 = arith.constant 0 : i32
      %dma_start3A_242 = tpu.memref_slice %arg5[%dma_start3A_241] : memref<528xi32, #tpu.memory_space<vmem>> -> memref<512xi32, #tpu.memory_space<vmem>>
      %dma_start3A_243 = tpu.memref_slice %arg2[%mul3A_2] : memref<16384xi32, #tpu.memory_space<hbm>> -> memref<512xi32, #tpu.memory_space<hbm>>
      %dma_start3A_244 = arith.constant 0 : i32
      %dma_start3A_245 = tpu.memref_slice %arg5[%dma_start3A_244] : memref<528xi32, #tpu.memory_space<vmem>> -> memref<512xi32, #tpu.memory_space<vmem>>
      %dma_start3A_246 = tpu.memref_slice %arg2[%mul3A_2] : memref<16384xi32, #tpu.memory_space<hbm>> -> memref<512xi32, #tpu.memory_space<hbm>>
      tpu.enqueue_dma source(%dma_start3A_246 : memref<512xi32, #tpu.memory_space<hbm>>) target(%dma_start3A_245 : memref<512xi32, #tpu.memory_space<vmem>>) target_semaphore(%run_scoped3A : memref<!tpu.dma_semaphore, #tpu.memory_space<semaphore_mem>>)
      %dma_wait3A = arith.constant 0 : i32
      %dma_wait3A_247 = tpu.memref_slice %arg5[%dma_wait3A] : memref<528xi32, #tpu.memory_space<vmem>> -> memref<512xi32, #tpu.memory_space<vmem>>
      %dma_wait3A_248 = tpu.memref_slice %arg2[%mul3A_2] : memref<16384xi32, #tpu.memory_space<hbm>> -> memref<512xi32, #tpu.memory_space<hbm>>
      %dma_wait3A_249 = arith.constant 0 : i32
      %dma_wait3A_250 = tpu.memref_slice %arg5[%dma_wait3A_249] : memref<528xi32, #tpu.memory_space<vmem>> -> memref<512xi32, #tpu.memory_space<vmem>>
      %dma_wait3A_251 = tpu.memref_slice %arg2[%mul3A_2] : memref<16384xi32, #tpu.memory_space<hbm>> -> memref<512xi32, #tpu.memory_space<hbm>>
      tpu.wait_dma2 semaphore(%run_scoped3A : memref<!tpu.dma_semaphore, #tpu.memory_space<semaphore_mem>>) src(%dma_wait3A_251 : memref<512xi32, #tpu.memory_space<hbm>>) dst(%dma_wait3A_250 : memref<512xi32, #tpu.memory_space<vmem>>)
      tpu.yield
    }) : () -> ()
    %get3A = arith.constant 0 : index
    %get3A_3 = tpu.vector_load %arg5[%get3A] {strides = array<i32>} : memref<528xi32, #tpu.memory_space<vmem>>, vector<16xi32>,
    %slice3A = vector.extract_strided_slice %get3A_3 {offsets = [0], sizes = [1], strides = [1]} : vector<16xi32> to vector<1xi32>
    %squeeze3A = vector.extract %slice3A[0] : i32 from vector<1xi32>
    %shift_right_arithmetic3A = arith.constant 7 : i32
    %shift_right_arithmetic3A_4 = arith.shrsi %squeeze3A, %shift_right_arithmetic3A : i32
    %shift_left3A = arith.constant 7 : i32
    %shift_left3A_5 = arith.shli %shift_right_arithmetic3A_4, %shift_left3A : i32
    %multiple_of3A = tpu.assume_multiple %shift_left3A_5, 128 : i32
    %dma_start3A = arith.constant 0 : i32
    %dma_start3A_6 = arith.constant 0 : i32
    %dma_start3A_7 = arith.constant 0 : i32
    %dma_start3A_8 = arith.constant 0 : i32
    %dma_start3A_9 = arith.constant 0 : i32
    %dma_start3A_10 = tpu.memref_slice %arg6[%dma_start3A, %dma_start3A_6, %dma_start3A_7, %dma_start3A_8, %dma_start3A_9] : memref<8x2x2x16x128xf32, #tpu.memory_space<vmem>> -> memref<1x2x2x16x128xf32, #tpu.memory_space<vmem>>
    %dma_start3A_11 = tpu.memref_squeeze %dma_start3A_10 : memref<1x2x2x16x128xf32, #tpu.memory_space<vmem>> -> memref<2x2x16x128xf32, #tpu.memory_space<vmem>>
    %dma_start3A_12 = arith.constant 0 : i32
    %dma_start3A_13 = arith.constant 0 : i32
    %dma_start3A_14 = arith.constant 0 : i32
    %dma_start3A_15 = tpu.memref_slice %arg3[%dma_start3A_12, %dma_start3A_13, %dma_start3A_14, %multiple_of3A] : memref<2x2x16x1000000xf32, #tpu.memory_space<hbm>> -> memref<2x2x16x128xf32, #tpu.memory_space<hbm>>
    %dma_start3A_16 = arith.constant 0 : i32
    %dma_start3A_17 = arith.constant 0 : i32
    %dma_start3A_18 = arith.constant 0 : i32
    %dma_start3A_19 = arith.constant 0 : i32
    %dma_start3A_20 = tpu.memref_slice %arg6[%dma_start3A, %dma_start3A_16, %dma_start3A_17, %dma_start3A_18, %dma_start3A_19] : memref<8x2x2x16x128xf32, #tpu.memory_space<vmem>> -> memref<1x2x2x16x128xf32, #tpu.memory_space<vmem>>
    %dma_start3A_21 = tpu.memref_squeeze %dma_start3A_20 : memref<1x2x2x16x128xf32, #tpu.memory_space<vmem>> -> memref<2x2x16x128xf32, #tpu.memory_space<vmem>>
    %dma_start3A_22 = arith.constant 0 : i32
    %dma_start3A_23 = arith.constant 0 : i32
    %dma_start3A_24 = arith.constant 0 : i32
    %dma_start3A_25 = tpu.memref_slice %arg3[%dma_start3A_22, %dma_start3A_23, %dma_start3A_24, %multiple_of3A] : memref<2x2x16x1000000xf32, #tpu.memory_space<hbm>> -> memref<2x2x16x128xf32, #tpu.memory_space<hbm>>
    tpu.enqueue_dma source(%dma_start3A_25 : memref<2x2x16x128xf32, #tpu.memory_space<hbm>>) target(%dma_start3A_21 : memref<2x2x16x128xf32, #tpu.memory_space<vmem>>) target_semaphore(%arg8 : memref<!tpu.dma_semaphore, #tpu.memory_space<semaphore_mem>>)
    %get3A_26 = arith.constant 1 : index
    %get3A_27 = tpu.vector_load %arg5[%get3A_26] {strides = array<i32>} : memref<528xi32, #tpu.memory_space<vmem>>, vector<16xi32>,
    %slice3A_28 = vector.extract_strided_slice %get3A_27 {offsets = [0], sizes = [1], strides = [1]} : vector<16xi32> to vector<1xi32>
    %squeeze3A_29 = vector.extract %slice3A_28[0] : i32 from vector<1xi32>
    %shift_right_arithmetic3A_30 = arith.constant 7 : i32
    %shift_right_arithmetic3A_31 = arith.shrsi %squeeze3A_29, %shift_right_arithmetic3A_30 : i32
    %shift_left3A_32 = arith.constant 7 : i32
    %shift_left3A_33 = arith.shli %shift_right_arithmetic3A_31, %shift_left3A_32 : i32
    %multiple_of3A_34 = tpu.assume_multiple %shift_left3A_33, 128 : i32
    %dma_start3A_35 = arith.constant 1 : i32
    %dma_start3A_36 = arith.constant 0 : i32
    %dma_start3A_37 = arith.constant 0 : i32
    %dma_start3A_38 = arith.constant 0 : i32
    %dma_start3A_39 = arith.constant 0 : i32
    %dma_start3A_40 = tpu.memref_slice %arg6[%dma_start3A_35, %dma_start3A_36, %dma_start3A_37, %dma_start3A_38, %dma_start3A_39] : memref<8x2x2x16x128xf32, #tpu.memory_space<vmem>> -> memref<1x2x2x16x128xf32, #tpu.memory_space<vmem>>
    %dma_start3A_41 = tpu.memref_squeeze %dma_start3A_40 : memref<1x2x2x16x128xf32, #tpu.memory_space<vmem>> -> memref<2x2x16x128xf32, #tpu.memory_space<vmem>>
    %dma_start3A_42 = arith.constant 0 : i32
    %dma_start3A_43 = arith.constant 0 : i32
    %dma_start3A_44 = arith.constant 0 : i32
    %dma_start3A_45 = tpu.memref_slice %arg3[%dma_start3A_42, %dma_start3A_43, %dma_start3A_44, %multiple_of3A_34] : memref<2x2x16x1000000xf32, #tpu.memory_space<hbm>> -> memref<2x2x16x128xf32, #tpu.memory_space<hbm>>
    %dma_start3A_46 = arith.constant 0 : i32
    %dma_start3A_47 = arith.constant 0 : i32
    %dma_start3A_48 = arith.constant 0 : i32
    %dma_start3A_49 = arith.constant 0 : i32
    %dma_start3A_50 = tpu.memref_slice %arg6[%dma_start3A_35, %dma_start3A_46, %dma_start3A_47, %dma_start3A_48, %dma_start3A_49] : memref<8x2x2x16x128xf32, #tpu.memory_space<vmem>> -> memref<1x2x2x16x128xf32, #tpu.memory_space<vmem>>
    %dma_start3A_51 = tpu.memref_squeeze %dma_start3A_50 : memref<1x2x2x16x128xf32, #tpu.memory_space<vmem>> -> memref<2x2x16x128xf32, #tpu.memory_space<vmem>>
    %dma_start3A_52 = arith.constant 0 : i32
    %dma_start3A_53 = arith.constant 0 : i32
    %dma_start3A_54 = arith.constant 0 : i32
    %dma_start3A_55 = tpu.memref_slice %arg3[%dma_start3A_52, %dma_start3A_53, %dma_start3A_54, %multiple_of3A_34] : memref<2x2x16x1000000xf32, #tpu.memory_space<hbm>> -> memref<2x2x16x128xf32, #tpu.memory_space<hbm>>
    tpu.enqueue_dma source(%dma_start3A_55 : memref<2x2x16x128xf32, #tpu.memory_space<hbm>>) target(%dma_start3A_51 : memref<2x2x16x128xf32, #tpu.memory_space<vmem>>) target_semaphore(%arg8 : memref<!tpu.dma_semaphore, #tpu.memory_space<semaphore_mem>>)
    %get3A_56 = arith.constant 2 : index
    %get3A_57 = tpu.vector_load %arg5[%get3A_56] {strides = array<i32>} : memref<528xi32, #tpu.memory_space<vmem>>, vector<16xi32>,
    %slice3A_58 = vector.extract_strided_slice %get3A_57 {offsets = [0], sizes = [1], strides = [1]} : vector<16xi32> to vector<1xi32>
    %squeeze3A_59 = vector.extract %slice3A_58[0] : i32 from vector<1xi32>
    %shift_right_arithmetic3A_60 = arith.constant 7 : i32
    %shift_right_arithmetic3A_61 = arith.shrsi %squeeze3A_59, %shift_right_arithmetic3A_60 : i32
    %shift_left3A_62 = arith.constant 7 : i32
    %shift_left3A_63 = arith.shli %shift_right_arithmetic3A_61, %shift_left3A_62 : i32
    %multiple_of3A_64 = tpu.assume_multiple %shift_left3A_63, 128 : i32
    %dma_start3A_65 = arith.constant 2 : i32
    %dma_start3A_66 = arith.constant 0 : i32
    %dma_start3A_67 = arith.constant 0 : i32
    %dma_start3A_68 = arith.constant 0 : i32
    %dma_start3A_69 = arith.constant 0 : i32
    %dma_start3A_70 = tpu.memref_slice %arg6[%dma_start3A_65, %dma_start3A_66, %dma_start3A_67, %dma_start3A_68, %dma_start3A_69] : memref<8x2x2x16x128xf32, #tpu.memory_space<vmem>> -> memref<1x2x2x16x128xf32, #tpu.memory_space<vmem>>
    %dma_start3A_71 = tpu.memref_squeeze %dma_start3A_70 : memref<1x2x2x16x128xf32, #tpu.memory_space<vmem>> -> memref<2x2x16x128xf32, #tpu.memory_space<vmem>>
    %dma_start3A_72 = arith.constant 0 : i32
    %dma_start3A_73 = arith.constant 0 : i32
    %dma_start3A_74 = arith.constant 0 : i32
    %dma_start3A_75 = tpu.memref_slice %arg3[%dma_start3A_72, %dma_start3A_73, %dma_start3A_74, %multiple_of3A_64] : memref<2x2x16x1000000xf32, #tpu.memory_space<hbm>> -> memref<2x2x16x128xf32, #tpu.memory_space<hbm>>
    %dma_start3A_76 = arith.constant 0 : i32
    %dma_start3A_77 = arith.constant 0 : i32
    %dma_start3A_78 = arith.constant 0 : i32
    %dma_start3A_79 = arith.constant 0 : i32
    %dma_start3A_80 = tpu.memref_slice %arg6[%dma_start3A_65, %dma_start3A_76, %dma_start3A_77, %dma_start3A_78, %dma_start3A_79] : memref<8x2x2x16x128xf32, #tpu.memory_space<vmem>> -> memref<1x2x2x16x128xf32, #tpu.memory_space<vmem>>
    %dma_start3A_81 = tpu.memref_squeeze %dma_start3A_80 : memref<1x2x2x16x128xf32, #tpu.memory_space<vmem>> -> memref<2x2x16x128xf32, #tpu.memory_space<vmem>>
    %dma_start3A_82 = arith.constant 0 : i32
    %dma_start3A_83 = arith.constant 0 : i32
    %dma_start3A_84 = arith.constant 0 : i32
    %dma_start3A_85 = tpu.memref_slice %arg3[%dma_start3A_82, %dma_start3A_83, %dma_start3A_84, %multiple_of3A_64] : memref<2x2x16x1000000xf32, #tpu.memory_space<hbm>> -> memref<2x2x16x128xf32, #tpu.memory_space<hbm>>
    tpu.enqueue_dma source(%dma_start3A_85 : memref<2x2x16x128xf32, #tpu.memory_space<hbm>>) target(%dma_start3A_81 : memref<2x2x16x128xf32, #tpu.memory_space<vmem>>) target_semaphore(%arg8 : memref<!tpu.dma_semaphore, #tpu.memory_space<semaphore_mem>>)
    %get3A_86 = arith.constant 3 : index
    %get3A_87 = tpu.vector_load %arg5[%get3A_86] {strides = array<i32>} : memref<528xi32, #tpu.memory_space<vmem>>, vector<16xi32>,
    %slice3A_88 = vector.extract_strided_slice %get3A_87 {offsets = [0], sizes = [1], strides = [1]} : vector<16xi32> to vector<1xi32>
    %squeeze3A_89 = vector.extract %slice3A_88[0] : i32 from vector<1xi32>
    %shift_right_arithmetic3A_90 = arith.constant 7 : i32
    %shift_right_arithmetic3A_91 = arith.shrsi %squeeze3A_89, %shift_right_arithmetic3A_90 : i32
    %shift_left3A_92 = arith.constant 7 : i32
    %shift_left3A_93 = arith.shli %shift_right_arithmetic3A_91, %shift_left3A_92 : i32
    %multiple_of3A_94 = tpu.assume_multiple %shift_left3A_93, 128 : i32
    %dma_start3A_95 = arith.constant 3 : i32
    %dma_start3A_96 = arith.constant 0 : i32
    %dma_start3A_97 = arith.constant 0 : i32
    %dma_start3A_98 = arith.constant 0 : i32
    %dma_start3A_99 = arith.constant 0 : i32
    %dma_start3A_100 = tpu.memref_slice %arg6[%dma_start3A_95, %dma_start3A_96, %dma_start3A_97, %dma_start3A_98, %dma_start3A_99] : memref<8x2x2x16x128xf32, #tpu.memory_space<vmem>> -> memref<1x2x2x16x128xf32, #tpu.memory_space<vmem>>
    %dma_start3A_101 = tpu.memref_squeeze %dma_start3A_100 : memref<1x2x2x16x128xf32, #tpu.memory_space<vmem>> -> memref<2x2x16x128xf32, #tpu.memory_space<vmem>>
    %dma_start3A_102 = arith.constant 0 : i32
    %dma_start3A_103 = arith.constant 0 : i32
    %dma_start3A_104 = arith.constant 0 : i32
    %dma_start3A_105 = tpu.memref_slice %arg3[%dma_start3A_102, %dma_start3A_103, %dma_start3A_104, %multiple_of3A_94] : memref<2x2x16x1000000xf32, #tpu.memory_space<hbm>> -> memref<2x2x16x128xf32, #tpu.memory_space<hbm>>
    %dma_start3A_106 = arith.constant 0 : i32
    %dma_start3A_107 = arith.constant 0 : i32
    %dma_start3A_108 = arith.constant 0 : i32
    %dma_start3A_109 = arith.constant 0 : i32
    %dma_start3A_110 = tpu.memref_slice %arg6[%dma_start3A_95, %dma_start3A_106, %dma_start3A_107, %dma_start3A_108, %dma_start3A_109] : memref<8x2x2x16x128xf32, #tpu.memory_space<vmem>> -> memref<1x2x2x16x128xf32, #tpu.memory_space<vmem>>
    %dma_start3A_111 = tpu.memref_squeeze %dma_start3A_110 : memref<1x2x2x16x128xf32, #tpu.memory_space<vmem>> -> memref<2x2x16x128xf32, #tpu.memory_space<vmem>>
    %dma_start3A_112 = arith.constant 0 : i32
    %dma_start3A_113 = arith.constant 0 : i32
    %dma_start3A_114 = arith.constant 0 : i32
    %dma_start3A_115 = tpu.memref_slice %arg3[%dma_start3A_112, %dma_start3A_113, %dma_start3A_114, %multiple_of3A_94] : memref<2x2x16x1000000xf32, #tpu.memory_space<hbm>> -> memref<2x2x16x128xf32, #tpu.memory_space<hbm>>
    tpu.enqueue_dma source(%dma_start3A_115 : memref<2x2x16x128xf32, #tpu.memory_space<hbm>>) target(%dma_start3A_111 : memref<2x2x16x128xf32, #tpu.memory_space<vmem>>) target_semaphore(%arg8 : memref<!tpu.dma_semaphore, #tpu.memory_space<semaphore_mem>>)
    %get3A_116 = arith.constant 4 : index
    %get3A_117 = tpu.vector_load %arg5[%get3A_116] {strides = array<i32>} : memref<528xi32, #tpu.memory_space<vmem>>, vector<16xi32>,
    %slice3A_118 = vector.extract_strided_slice %get3A_117 {offsets = [0], sizes = [1], strides = [1]} : vector<16xi32> to vector<1xi32>
    %squeeze3A_119 = vector.extract %slice3A_118[0] : i32 from vector<1xi32>
    %shift_right_arithmetic3A_120 = arith.constant 7 : i32
    %shift_right_arithmetic3A_121 = arith.shrsi %squeeze3A_119, %shift_right_arithmetic3A_120 : i32
    %shift_left3A_122 = arith.constant 7 : i32
    %shift_left3A_123 = arith.shli %shift_right_arithmetic3A_121, %shift_left3A_122 : i32
    %multiple_of3A_124 = tpu.assume_multiple %shift_left3A_123, 128 : i32
    %dma_start3A_125 = arith.constant 4 : i32
    %dma_start3A_126 = arith.constant 0 : i32
    %dma_start3A_127 = arith.constant 0 : i32
    %dma_start3A_128 = arith.constant 0 : i32
    %dma_start3A_129 = arith.constant 0 : i32
    %dma_start3A_130 = tpu.memref_slice %arg6[%dma_start3A_125, %dma_start3A_126, %dma_start3A_127, %dma_start3A_128, %dma_start3A_129] : memref<8x2x2x16x128xf32, #tpu.memory_space<vmem>> -> memref<1x2x2x16x128xf32, #tpu.memory_space<vmem>>
    %dma_start3A_131 = tpu.memref_squeeze %dma_start3A_130 : memref<1x2x2x16x128xf32, #tpu.memory_space<vmem>> -> memref<2x2x16x128xf32, #tpu.memory_space<vmem>>
    %dma_start3A_132 = arith.constant 0 : i32
    %dma_start3A_133 = arith.constant 0 : i32
    %dma_start3A_134 = arith.constant 0 : i32
    %dma_start3A_135 = tpu.memref_slice %arg3[%dma_start3A_132, %dma_start3A_133, %dma_start3A_134, %multiple_of3A_124] : memref<2x2x16x1000000xf32, #tpu.memory_space<hbm>> -> memref<2x2x16x128xf32, #tpu.memory_space<hbm>>
    %dma_start3A_136 = arith.constant 0 : i32
    %dma_start3A_137 = arith.constant 0 : i32
    %dma_start3A_138 = arith.constant 0 : i32
    %dma_start3A_139 = arith.constant 0 : i32
    %dma_start3A_140 = tpu.memref_slice %arg6[%dma_start3A_125, %dma_start3A_136, %dma_start3A_137, %dma_start3A_138, %dma_start3A_139] : memref<8x2x2x16x128xf32, #tpu.memory_space<vmem>> -> memref<1x2x2x16x128xf32, #tpu.memory_space<vmem>>
    %dma_start3A_141 = tpu.memref_squeeze %dma_start3A_140 : memref<1x2x2x16x128xf32, #tpu.memory_space<vmem>> -> memref<2x2x16x128xf32, #tpu.memory_space<vmem>>
    %dma_start3A_142 = arith.constant 0 : i32
    %dma_start3A_143 = arith.constant 0 : i32
    %dma_start3A_144 = arith.constant 0 : i32
    %dma_start3A_145 = tpu.memref_slice %arg3[%dma_start3A_142, %dma_start3A_143, %dma_start3A_144, %multiple_of3A_124] : memref<2x2x16x1000000xf32, #tpu.memory_space<hbm>> -> memref<2x2x16x128xf32, #tpu.memory_space<hbm>>
    tpu.enqueue_dma source(%dma_start3A_145 : memref<2x2x16x128xf32, #tpu.memory_space<hbm>>) target(%dma_start3A_141 : memref<2x2x16x128xf32, #tpu.memory_space<vmem>>) target_semaphore(%arg8 : memref<!tpu.dma_semaphore, #tpu.memory_space<semaphore_mem>>)
    %get3A_146 = arith.constant 5 : index
    %get3A_147 = tpu.vector_load %arg5[%get3A_146] {strides = array<i32>} : memref<528xi32, #tpu.memory_space<vmem>>, vector<16xi32>,
    %slice3A_148 = vector.extract_strided_slice %get3A_147 {offsets = [0], sizes = [1], strides = [1]} : vector<16xi32> to vector<1xi32>
    %squeeze3A_149 = vector.extract %slice3A_148[0] : i32 from vector<1xi32>
    %shift_right_arithmetic3A_150 = arith.constant 7 : i32
    %shift_right_arithmetic3A_151 = arith.shrsi %squeeze3A_149, %shift_right_arithmetic3A_150 : i32
    %shift_left3A_152 = arith.constant 7 : i32
    %shift_left3A_153 = arith.shli %shift_right_arithmetic3A_151, %shift_left3A_152 : i32
    %multiple_of3A_154 = tpu.assume_multiple %shift_left3A_153, 128 : i32
    %dma_start3A_155 = arith.constant 5 : i32
    %dma_start3A_156 = arith.constant 0 : i32
    %dma_start3A_157 = arith.constant 0 : i32
    %dma_start3A_158 = arith.constant 0 : i32
    %dma_start3A_159 = arith.constant 0 : i32
    %dma_start3A_160 = tpu.memref_slice %arg6[%dma_start3A_155, %dma_start3A_156, %dma_start3A_157, %dma_start3A_158, %dma_start3A_159] : memref<8x2x2x16x128xf32, #tpu.memory_space<vmem>> -> memref<1x2x2x16x128xf32, #tpu.memory_space<vmem>>
    %dma_start3A_161 = tpu.memref_squeeze %dma_start3A_160 : memref<1x2x2x16x128xf32, #tpu.memory_space<vmem>> -> memref<2x2x16x128xf32, #tpu.memory_space<vmem>>
    %dma_start3A_162 = arith.constant 0 : i32
    %dma_start3A_163 = arith.constant 0 : i32
    %dma_start3A_164 = arith.constant 0 : i32
    %dma_start3A_165 = tpu.memref_slice %arg3[%dma_start3A_162, %dma_start3A_163, %dma_start3A_164, %multiple_of3A_154] : memref<2x2x16x1000000xf32, #tpu.memory_space<hbm>> -> memref<2x2x16x128xf32, #tpu.memory_space<hbm>>
    %dma_start3A_166 = arith.constant 0 : i32
    %dma_start3A_167 = arith.constant 0 : i32
    %dma_start3A_168 = arith.constant 0 : i32
    %dma_start3A_169 = arith.constant 0 : i32
    %dma_start3A_170 = tpu.memref_slice %arg6[%dma_start3A_155, %dma_start3A_166, %dma_start3A_167, %dma_start3A_168, %dma_start3A_169] : memref<8x2x2x16x128xf32, #tpu.memory_space<vmem>> -> memref<1x2x2x16x128xf32, #tpu.memory_space<vmem>>
    %dma_start3A_171 = tpu.memref_squeeze %dma_start3A_170 : memref<1x2x2x16x128xf32, #tpu.memory_space<vmem>> -> memref<2x2x16x128xf32, #tpu.memory_space<vmem>>
    %dma_start3A_172 = arith.constant 0 : i32
    %dma_start3A_173 = arith.constant 0 : i32
    %dma_start3A_174 = arith.constant 0 : i32
    %dma_start3A_175 = tpu.memref_slice %arg3[%dma_start3A_172, %dma_start3A_173, %dma_start3A_174, %multiple_of3A_154] : memref<2x2x16x1000000xf32, #tpu.memory_space<hbm>> -> memref<2x2x16x128xf32, #tpu.memory_space<hbm>>
    tpu.enqueue_dma source(%dma_start3A_175 : memref<2x2x16x128xf32, #tpu.memory_space<hbm>>) target(%dma_start3A_171 : memref<2x2x16x128xf32, #tpu.memory_space<vmem>>) target_semaphore(%arg8 : memref<!tpu.dma_semaphore, #tpu.memory_space<semaphore_mem>>)
    %get3A_176 = arith.constant 6 : index
    %get3A_177 = tpu.vector_load %arg5[%get3A_176] {strides = array<i32>} : memref<528xi32, #tpu.memory_space<vmem>>, vector<16xi32>,
    %slice3A_178 = vector.extract_strided_slice %get3A_177 {offsets = [0], sizes = [1], strides = [1]} : vector<16xi32> to vector<1xi32>
    %squeeze3A_179 = vector.extract %slice3A_178[0] : i32 from vector<1xi32>
    %shift_right_arithmetic3A_180 = arith.constant 7 : i32
    %shift_right_arithmetic3A_181 = arith.shrsi %squeeze3A_179, %shift_right_arithmetic3A_180 : i32
    %shift_left3A_182 = arith.constant 7 : i32
    %shift_left3A_183 = arith.shli %shift_right_arithmetic3A_181, %shift_left3A_182 : i32
    %multiple_of3A_184 = tpu.assume_multiple %shift_left3A_183, 128 : i32
    %dma_start3A_185 = arith.constant 6 : i32
    %dma_start3A_186 = arith.constant 0 : i32
    %dma_start3A_187 = arith.constant 0 : i32
    %dma_start3A_188 = arith.constant 0 : i32
    %dma_start3A_189 = arith.constant 0 : i32
    %dma_start3A_190 = tpu.memref_slice %arg6[%dma_start3A_185, %dma_start3A_186, %dma_start3A_187, %dma_start3A_188, %dma_start3A_189] : memref<8x2x2x16x128xf32, #tpu.memory_space<vmem>> -> memref<1x2x2x16x128xf32, #tpu.memory_space<vmem>>
    %dma_start3A_191 = tpu.memref_squeeze %dma_start3A_190 : memref<1x2x2x16x128xf32, #tpu.memory_space<vmem>> -> memref<2x2x16x128xf32, #tpu.memory_space<vmem>>
    %dma_start3A_192 = arith.constant 0 : i32
    %dma_start3A_193 = arith.constant 0 : i32
    %dma_start3A_194 = arith.constant 0 : i32
    %dma_start3A_195 = tpu.memref_slice %arg3[%dma_start3A_192, %dma_start3A_193, %dma_start3A_194, %multiple_of3A_184] : memref<2x2x16x1000000xf32, #tpu.memory_space<hbm>> -> memref<2x2x16x128xf32, #tpu.memory_space<hbm>>
    %dma_start3A_196 = arith.constant 0 : i32
    %dma_start3A_197 = arith.constant 0 : i32
    %dma_start3A_198 = arith.constant 0 : i32
    %dma_start3A_199 = arith.constant 0 : i32
    %dma_start3A_200 = tpu.memref_slice %arg6[%dma_start3A_185, %dma_start3A_196, %dma_start3A_197, %dma_start3A_198, %dma_start3A_199] : memref<8x2x2x16x128xf32, #tpu.memory_space<vmem>> -> memref<1x2x2x16x128xf32, #tpu.memory_space<vmem>>
    %dma_start3A_201 = tpu.memref_squeeze %dma_start3A_200 : memref<1x2x2x16x128xf32, #tpu.memory_space<vmem>> -> memref<2x2x16x128xf32, #tpu.memory_space<vmem>>
    %dma_start3A_202 = arith.constant 0 : i32
    %dma_start3A_203 = arith.constant 0 : i32
    %dma_start3A_204 = arith.constant 0 : i32
    %dma_start3A_205 = tpu.memref_slice %arg3[%dma_start3A_202, %dma_start3A_203, %dma_start3A_204, %multiple_of3A_184] : memref<2x2x16x1000000xf32, #tpu.memory_space<hbm>> -> memref<2x2x16x128xf32, #tpu.memory_space<hbm>>
    tpu.enqueue_dma source(%dma_start3A_205 : memref<2x2x16x128xf32, #tpu.memory_space<hbm>>) target(%dma_start3A_201 : memref<2x2x16x128xf32, #tpu.memory_space<vmem>>) target_semaphore(%arg8 : memref<!tpu.dma_semaphore, #tpu.memory_space<semaphore_mem>>)
    %get3A_206 = arith.constant 7 : index
    %get3A_207 = tpu.vector_load %arg5[%get3A_206] {strides = array<i32>} : memref<528xi32, #tpu.memory_space<vmem>>, vector<16xi32>,
    %slice3A_208 = vector.extract_strided_slice %get3A_207 {offsets = [0], sizes = [1], strides = [1]} : vector<16xi32> to vector<1xi32>
    %squeeze3A_209 = vector.extract %slice3A_208[0] : i32 from vector<1xi32>
    %shift_right_arithmetic3A_210 = arith.constant 7 : i32
    %shift_right_arithmetic3A_211 = arith.shrsi %squeeze3A_209, %shift_right_arithmetic3A_210 : i32
    %shift_left3A_212 = arith.constant 7 : i32
    %shift_left3A_213 = arith.shli %shift_right_arithmetic3A_211, %shift_left3A_212 : i32
    %multiple_of3A_214 = tpu.assume_multiple %shift_left3A_213, 128 : i32
    %dma_start3A_215 = arith.constant 7 : i32
    %dma_start3A_216 = arith.constant 0 : i32
    %dma_start3A_217 = arith.constant 0 : i32
    %dma_start3A_218 = arith.constant 0 : i32
    %dma_start3A_219 = arith.constant 0 : i32
    %dma_start3A_220 = tpu.memref_slice %arg6[%dma_start3A_215, %dma_start3A_216, %dma_start3A_217, %dma_start3A_218, %dma_start3A_219] : memref<8x2x2x16x128xf32, #tpu.memory_space<vmem>> -> memref<1x2x2x16x128xf32, #tpu.memory_space<vmem>>
    %dma_start3A_221 = tpu.memref_squeeze %dma_start3A_220 : memref<1x2x2x16x128xf32, #tpu.memory_space<vmem>> -> memref<2x2x16x128xf32, #tpu.memory_space<vmem>>
    %dma_start3A_222 = arith.constant 0 : i32
    %dma_start3A_223 = arith.constant 0 : i32
    %dma_start3A_224 = arith.constant 0 : i32
    %dma_start3A_225 = tpu.memref_slice %arg3[%dma_start3A_222, %dma_start3A_223, %dma_start3A_224, %multiple_of3A_214] : memref<2x2x16x1000000xf32, #tpu.memory_space<hbm>> -> memref<2x2x16x128xf32, #tpu.memory_space<hbm>>
    %dma_start3A_226 = arith.constant 0 : i32
    %dma_start3A_227 = arith.constant 0 : i32
    %dma_start3A_228 = arith.constant 0 : i32
    %dma_start3A_229 = arith.constant 0 : i32
    %dma_start3A_230 = tpu.memref_slice %arg6[%dma_start3A_215, %dma_start3A_226, %dma_start3A_227, %dma_start3A_228, %dma_start3A_229] : memref<8x2x2x16x128xf32, #tpu.memory_space<vmem>> -> memref<1x2x2x16x128xf32, #tpu.memory_space<vmem>>
    %dma_start3A_231 = tpu.memref_squeeze %dma_start3A_230 : memref<1x2x2x16x128xf32, #tpu.memory_space<vmem>> -> memref<2x2x16x128xf32, #tpu.memory_space<vmem>>
    %dma_start3A_232 = arith.constant 0 : i32
    %dma_start3A_233 = arith.constant 0 : i32
    %dma_start3A_234 = arith.constant 0 : i32
    %dma_start3A_235 = tpu.memref_slice %arg3[%dma_start3A_232, %dma_start3A_233, %dma_start3A_234, %multiple_of3A_214] : memref<2x2x16x1000000xf32, #tpu.memory_space<hbm>> -> memref<2x2x16x128xf32, #tpu.memory_space<hbm>>
    tpu.enqueue_dma source(%dma_start3A_235 : memref<2x2x16x128xf32, #tpu.memory_space<hbm>>) target(%dma_start3A_231 : memref<2x2x16x128xf32, #tpu.memory_space<vmem>>) target_semaphore(%arg8 : memref<!tpu.dma_semaphore, #tpu.memory_space<semaphore_mem>>)
    %iota3A = tpu.iota {dimensions = array<i32: 0>} : vector<16xi32>
    %scan3A = arith.constant 0 : i32
    %scan3A_236 = arith.constant 0 : i32
    %scan3A_237 = arith.constant 64 : i32
    %scan3A_238 = arith.addi %scan3A_236, %scan3A_237 : i32
    %scan3A_239 = arith.constant 1 : i32
    scf.for %scan3A_241 = %scan3A_236 to %scan3A_238 step %scan3A_239  : i32 {
      %mul3A_242 = arith.constant 8 : i32
      %mul3A_243 = arith.muli %scan3A_241, %mul3A_242 : i32
      %add3A_244 = arith.constant 0 : i32
      %add3A_245 = arith.addi %mul3A_243, %add3A_244 : i32
      %dma_wait3A = arith.constant 0 : i32
      %dma_wait3A_246 = arith.constant 0 : i32
      %dma_wait3A_247 = arith.constant 0 : i32
      %dma_wait3A_248 = arith.constant 0 : i32
      %dma_wait3A_249 = arith.constant 0 : i32
      %dma_wait3A_250 = tpu.memref_slice %arg6[%dma_wait3A, %dma_wait3A_246, %dma_wait3A_247, %dma_wait3A_248, %dma_wait3A_249] : memref<8x2x2x16x128xf32, #tpu.memory_space<vmem>> -> memref<1x2x2x16x128xf32, #tpu.memory_space<vmem>>
      %dma_wait3A_251 = tpu.memref_squeeze %dma_wait3A_250 : memref<1x2x2x16x128xf32, #tpu.memory_space<vmem>> -> memref<2x2x16x128xf32, #tpu.memory_space<vmem>>
      %dma_wait3A_252 = arith.constant 0 : i32
      %dma_wait3A_253 = arith.constant 0 : i32
      %dma_wait3A_254 = arith.constant 0 : i32
      %dma_wait3A_255 = arith.constant 0 : i32
      %dma_wait3A_256 = tpu.memref_slice %arg3[%dma_wait3A_252, %dma_wait3A_253, %dma_wait3A_254, %dma_wait3A_255] : memref<2x2x16x1000000xf32, #tpu.memory_space<hbm>> -> memref<2x2x16x128xf32, #tpu.memory_space<hbm>>
      %dma_wait3A_257 = arith.constant 0 : i32
      %dma_wait3A_258 = arith.constant 0 : i32
      %dma_wait3A_259 = arith.constant 0 : i32
      %dma_wait3A_260 = arith.constant 0 : i32
      %dma_wait3A_261 = tpu.memref_slice %arg6[%dma_wait3A, %dma_wait3A_257, %dma_wait3A_258, %dma_wait3A_259, %dma_wait3A_260] : memref<8x2x2x16x128xf32, #tpu.memory_space<vmem>> -> memref<1x2x2x16x128xf32, #tpu.memory_space<vmem>>
      %dma_wait3A_262 = tpu.memref_squeeze %dma_wait3A_261 : memref<1x2x2x16x128xf32, #tpu.memory_space<vmem>> -> memref<2x2x16x128xf32, #tpu.memory_space<vmem>>
      %dma_wait3A_263 = arith.constant 0 : i32
      %dma_wait3A_264 = arith.constant 0 : i32
      %dma_wait3A_265 = arith.constant 0 : i32
      %dma_wait3A_266 = arith.constant 0 : i32
      %dma_wait3A_267 = tpu.memref_slice %arg3[%dma_wait3A_263, %dma_wait3A_264, %dma_wait3A_265, %dma_wait3A_266] : memref<2x2x16x1000000xf32, #tpu.memory_space<hbm>> -> memref<2x2x16x128xf32, #tpu.memory_space<hbm>>
      tpu.wait_dma2 semaphore(%arg8 : memref<!tpu.dma_semaphore, #tpu.memory_space<semaphore_mem>>) src(%dma_wait3A_267 : memref<2x2x16x128xf32, #tpu.memory_space<hbm>>) dst(%dma_wait3A_262 : memref<2x2x16x128xf32, #tpu.memory_space<vmem>>)
      %get3A_268 = arith.index_cast %add3A_245 : i32 to index
      %get3A_269 = tpu.vector_load %arg5[%get3A_268] {strides = array<i32>} : memref<528xi32, #tpu.memory_space<vmem>>, vector<16xi32>,
      %slice3A_270 = vector.extract_strided_slice %get3A_269 {offsets = [0], sizes = [1], strides = [1]} : vector<16xi32> to vector<1xi32>
      %squeeze3A_271 = vector.extract %slice3A_270[0] : i32 from vector<1xi32>
      %and3A = arith.constant 127 : i32
      %and3A_272 = arith.andi %squeeze3A_271, %and3A : i32
      %broadcast_in_dim3A = vector.broadcast %and3A_272 : i32 to vector<16xi32>
      %jit3A = arith.constant 2 : i32
      %div3A = arith.divsi %add3A_245, %jit3A : i32
      %sign3A = arith.constant 0 : i32
      %sign3A_273 = arith.cmpi sgt, %add3A_245, %sign3A : i32
      %sign3A_274 = arith.extui %sign3A_273 : i1 to i32
      %sign3A_275 = arith.constant 0 : i32
      %sign3A_276 = arith.cmpi slt, %add3A_245, %sign3A_275 : i32
      %sign3A_277 = arith.extui %sign3A_276 : i1 to i32
      %sign3A_278 = arith.subi %sign3A_274, %sign3A_277 : i32
      %sign3A_279 = arith.constant 0 : i32
      %sign3A_280 = arith.cmpi sgt, %jit3A, %sign3A_279 : i32
      %sign3A_281 = arith.extui %sign3A_280 : i1 to i32
      %sign3A_282 = arith.constant 0 : i32
      %sign3A_283 = arith.cmpi slt, %jit3A, %sign3A_282 : i32
      %sign3A_284 = arith.extui %sign3A_283 : i1 to i32
      %sign3A_285 = arith.subi %sign3A_281, %sign3A_284 : i32
      %ne3A = arith.cmpi ne, %sign3A_278, %sign3A_285 : i32
      %rem3A = arith.remsi %add3A_245, %jit3A : i32
      %ne3A_286 = arith.constant 0 : i32
      %ne3A_287 = arith.cmpi ne, %rem3A, %ne3A_286 : i32
      %and3A_288 = arith.andi %ne3A, %ne3A_287 : i1
      %sub3A = arith.constant 1 : i32
      %sub3A_289 = arith.subi %div3A, %sub3A : i32
      %select_n3A = arith.select %and3A_288, %sub3A_289, %div3A : i32
      %jit3A_290 = arith.constant 2 : i32
      %eq3A = arith.constant 0 : i32
      %eq3A_291 = arith.cmpi eq, %jit3A_290, %eq3A : i32
      %jit3A_292 = arith.constant 1 : i32
      %select_n3A_293 = arith.select %eq3A_291, %jit3A_292, %jit3A_290 : i32
      %rem3A_294 = arith.remsi %add3A_245, %select_n3A_293 : i32
      %ne3A_295 = arith.constant 0 : i32
      %ne3A_296 = arith.cmpi ne, %rem3A_294, %ne3A_295 : i32
      %lt3A = arith.constant 0 : i32
      %lt3A_297 = arith.cmpi slt, %rem3A_294, %lt3A : i32
      %lt3A_298 = arith.constant 0 : i32
      %lt3A_299 = arith.cmpi slt, %select_n3A_293, %lt3A_298 : i32
      %ne3A_300 = arith.xori %lt3A_297, %lt3A_299 : i1
      %and3A_301 = arith.andi %ne3A_300, %ne3A_296 : i1
      %add3A_302 = arith.addi %rem3A_294, %select_n3A_293 : i32
      %select_n3A_303 = arith.select %and3A_301, %add3A_302, %rem3A_294 : i32
      %mul3A_304 = arith.constant 64 : i32
      %mul3A_305 = arith.muli %select_n3A_303, %mul3A_304 : i32
      %gather3A = arith.constant 0 : i32
      %gather3A_306 = arith.constant 0 : i32
      %gather3A_307 = arith.constant 0 : i32
      %gather3A_308 = arith.constant 0 : i32
      %gather3A_309 = arith.constant 0 : i32
      %gather3A_310 = tpu.memref_slice %arg6[%gather3A, %gather3A_306, %gather3A_307, %gather3A_308, %gather3A_309] : memref<8x2x2x16x128xf32, #tpu.memory_space<vmem>> -> memref<1x1x1x16x128xf32, #tpu.memory_space<vmem>>
      %gather3A_311 = tpu.memref_squeeze %gather3A_310 : memref<1x1x1x16x128xf32, #tpu.memory_space<vmem>> -> memref<16x128xf32, #tpu.memory_space<vmem>>
      %gather3A_312 = tpu.vector_load_idx %gather3A_311[%iota3A, %broadcast_in_dim3A] : memref<16x128xf32, #tpu.memory_space<vmem>>[vector<16xi32>, vector<16xi32>], vector<16xf32>,
      %add3A_313 = arith.constant 0 : i32
      %add3A_314 = arith.addi %mul3A_305, %add3A_313 : i32
      %swap3A = arith.index_cast %select_n3A : i32 to index
      %swap3A_315 = arith.index_cast %add3A_314 : i32 to index
      %swap3A_316 = tpu.vector_load %arg7[%swap3A, %swap3A_315] {strides = array<i32>} : memref<256x128xf32, #tpu.memory_space<vmem>>, vector<16xf32>,
      tpu.vector_store %arg7[%swap3A, %swap3A_315], %gather3A_312 {strides = array<i32>} : memref<256x128xf32, #tpu.memory_space<vmem>>, vector<16xf32>,
      %gather3A_317 = arith.constant 0 : i32
      %gather3A_318 = arith.constant 0 : i32
      %gather3A_319 = arith.constant 1 : i32
      %gather3A_320 = arith.constant 0 : i32
      %gather3A_321 = arith.constant 0 : i32
      %gather3A_322 = tpu.memref_slice %arg6[%gather3A_317, %gather3A_318, %gather3A_319, %gather3A_320, %gather3A_321] : memref<8x2x2x16x128xf32, #tpu.memory_space<vmem>> -> memref<1x1x1x16x128xf32, #tpu.memory_space<vmem>>
      %gather3A_323 = tpu.memref_squeeze %gather3A_322 : memref<1x1x1x16x128xf32, #tpu.memory_space<vmem>> -> memref<16x128xf32, #tpu.memory_space<vmem>>
      %gather3A_324 = tpu.vector_load_idx %gather3A_323[%iota3A, %broadcast_in_dim3A] : memref<16x128xf32, #tpu.memory_space<vmem>>[vector<16xi32>, vector<16xi32>], vector<16xf32>,
      %add3A_325 = arith.constant 16 : i32
      %add3A_326 = arith.addi %mul3A_305, %add3A_325 : i32
      %swap3A_327 = arith.index_cast %select_n3A : i32 to index
      %swap3A_328 = arith.index_cast %add3A_326 : i32 to index
      %swap3A_329 = tpu.vector_load %arg7[%swap3A_327, %swap3A_328] {strides = array<i32>} : memref<256x128xf32, #tpu.memory_space<vmem>>, vector<16xf32>,
      tpu.vector_store %arg7[%swap3A_327, %swap3A_328], %gather3A_324 {strides = array<i32>} : memref<256x128xf32, #tpu.memory_space<vmem>>, vector<16xf32>,
      %gather3A_330 = arith.constant 0 : i32
      %gather3A_331 = arith.constant 1 : i32
      %gather3A_332 = arith.constant 0 : i32
      %gather3A_333 = arith.constant 0 : i32
      %gather3A_334 = arith.constant 0 : i32
      %gather3A_335 = tpu.memref_slice %arg6[%gather3A_330, %gather3A_331, %gather3A_332, %gather3A_333, %gather3A_334] : memref<8x2x2x16x128xf32, #tpu.memory_space<vmem>> -> memref<1x1x1x16x128xf32, #tpu.memory_space<vmem>>
      %gather3A_336 = tpu.memref_squeeze %gather3A_335 : memref<1x1x1x16x128xf32, #tpu.memory_space<vmem>> -> memref<16x128xf32, #tpu.memory_space<vmem>>
      %gather3A_337 = tpu.vector_load_idx %gather3A_336[%iota3A, %broadcast_in_dim3A] : memref<16x128xf32, #tpu.memory_space<vmem>>[vector<16xi32>, vector<16xi32>], vector<16xf32>,
      %add3A_338 = arith.constant 32 : i32
      %add3A_339 = arith.addi %mul3A_305, %add3A_338 : i32
      %swap3A_340 = arith.index_cast %select_n3A : i32 to index
      %swap3A_341 = arith.index_cast %add3A_339 : i32 to index
      %swap3A_342 = tpu.vector_load %arg7[%swap3A_340, %swap3A_341] {strides = array<i32>} : memref<256x128xf32, #tpu.memory_space<vmem>>, vector<16xf32>,
      tpu.vector_store %arg7[%swap3A_340, %swap3A_341], %gather3A_337 {strides = array<i32>} : memref<256x128xf32, #tpu.memory_space<vmem>>, vector<16xf32>,
      %gather3A_343 = arith.constant 0 : i32
      %gather3A_344 = arith.constant 1 : i32
      %gather3A_345 = arith.constant 1 : i32
      %gather3A_346 = arith.constant 0 : i32
      %gather3A_347 = arith.constant 0 : i32
      %gather3A_348 = tpu.memref_slice %arg6[%gather3A_343, %gather3A_344, %gather3A_345, %gather3A_346, %gather3A_347] : memref<8x2x2x16x128xf32, #tpu.memory_space<vmem>> -> memref<1x1x1x16x128xf32, #tpu.memory_space<vmem>>
      %gather3A_349 = tpu.memref_squeeze %gather3A_348 : memref<1x1x1x16x128xf32, #tpu.memory_space<vmem>> -> memref<16x128xf32, #tpu.memory_space<vmem>>
      %gather3A_350 = tpu.vector_load_idx %gather3A_349[%iota3A, %broadcast_in_dim3A] : memref<16x128xf32, #tpu.memory_space<vmem>>[vector<16xi32>, vector<16xi32>], vector<16xf32>,
      %add3A_351 = arith.constant 48 : i32
      %add3A_352 = arith.addi %mul3A_305, %add3A_351 : i32
      %swap3A_353 = arith.index_cast %select_n3A : i32 to index
      %swap3A_354 = arith.index_cast %add3A_352 : i32 to index
      %swap3A_355 = tpu.vector_load %arg7[%swap3A_353, %swap3A_354] {strides = array<i32>} : memref<256x128xf32, #tpu.memory_space<vmem>>, vector<16xf32>,
      tpu.vector_store %arg7[%swap3A_353, %swap3A_354], %gather3A_350 {strides = array<i32>} : memref<256x128xf32, #tpu.memory_space<vmem>>, vector<16xf32>,
      %add3A_356 = arith.constant 1 : i32
      %add3A_357 = arith.addi %scan3A_241, %add3A_356 : i32
      %lt3A_358 = arith.constant 64 : i32
      %lt3A_359 = arith.cmpi slt, %add3A_357, %lt3A_358 : i32
      %convert_element_type3A = arith.extui %lt3A_359 : i1 to i32
      %cond3A = arith.constant 0 : i32
      %cond3A_360 = arith.cmpi ne, %convert_element_type3A, %cond3A : i32
      scf.if %cond3A_360 {
        %add3A_1306 = arith.constant 8 : i32
        %add3A_1307 = arith.addi %add3A_245, %add3A_1306 : i32
        %get3A_1308 = arith.index_cast %add3A_1307 : i32 to index
        %get3A_1309 = tpu.vector_load %arg5[%get3A_1308] {strides = array<i32>} : memref<528xi32, #tpu.memory_space<vmem>>, vector<16xi32>,
        %slice3A_1310 = vector.extract_strided_slice %get3A_1309 {offsets = [0], sizes = [1], strides = [1]} : vector<16xi32> to vector<1xi32>
        %squeeze3A_1311 = vector.extract %slice3A_1310[0] : i32 from vector<1xi32>
        %shift_right_arithmetic3A_1312 = arith.constant 7 : i32
        %shift_right_arithmetic3A_1313 = arith.shrsi %squeeze3A_1311, %shift_right_arithmetic3A_1312 : i32
        %shift_left3A_1314 = arith.constant 7 : i32
        %shift_left3A_1315 = arith.shli %shift_right_arithmetic3A_1313, %shift_left3A_1314 : i32
        %multiple_of3A_1316 = tpu.assume_multiple %shift_left3A_1315, 128 : i32
        %dma_start3A_1317 = arith.constant 0 : i32
        %dma_start3A_1318 = arith.constant 0 : i32
        %dma_start3A_1319 = arith.constant 0 : i32
        %dma_start3A_1320 = arith.constant 0 : i32
        %dma_start3A_1321 = arith.constant 0 : i32
        %dma_start3A_1322 = tpu.memref_slice %arg6[%dma_start3A_1317, %dma_start3A_1318, %dma_start3A_1319, %dma_start3A_1320, %dma_start3A_1321] : memref<8x2x2x16x128xf32, #tpu.memory_space<vmem>> -> memref<1x2x2x16x128xf32, #tpu.memory_space<vmem>>
        %dma_start3A_1323 = tpu.memref_squeeze %dma_start3A_1322 : memref<1x2x2x16x128xf32, #tpu.memory_space<vmem>> -> memref<2x2x16x128xf32, #tpu.memory_space<vmem>>
        %dma_start3A_1324 = arith.constant 0 : i32
        %dma_start3A_1325 = arith.constant 0 : i32
        %dma_start3A_1326 = arith.constant 0 : i32
        %dma_start3A_1327 = tpu.memref_slice %arg3[%dma_start3A_1324, %dma_start3A_1325, %dma_start3A_1326, %multiple_of3A_1316] : memref<2x2x16x1000000xf32, #tpu.memory_space<hbm>> -> memref<2x2x16x128xf32, #tpu.memory_space<hbm>>
        %dma_start3A_1328 = arith.constant 0 : i32
        %dma_start3A_1329 = arith.constant 0 : i32
        %dma_start3A_1330 = arith.constant 0 : i32
        %dma_start3A_1331 = arith.constant 0 : i32
        %dma_start3A_1332 = tpu.memref_slice %arg6[%dma_start3A_1317, %dma_start3A_1328, %dma_start3A_1329, %dma_start3A_1330, %dma_start3A_1331] : memref<8x2x2x16x128xf32, #tpu.memory_space<vmem>> -> memref<1x2x2x16x128xf32, #tpu.memory_space<vmem>>
        %dma_start3A_1333 = tpu.memref_squeeze %dma_start3A_1332 : memref<1x2x2x16x128xf32, #tpu.memory_space<vmem>> -> memref<2x2x16x128xf32, #tpu.memory_space<vmem>>
        %dma_start3A_1334 = arith.constant 0 : i32
        %dma_start3A_1335 = arith.constant 0 : i32
        %dma_start3A_1336 = arith.constant 0 : i32
        %dma_start3A_1337 = tpu.memref_slice %arg3[%dma_start3A_1334, %dma_start3A_1335, %dma_start3A_1336, %multiple_of3A_1316] : memref<2x2x16x1000000xf32, #tpu.memory_space<hbm>> -> memref<2x2x16x128xf32, #tpu.memory_space<hbm>>
        tpu.enqueue_dma source(%dma_start3A_1337 : memref<2x2x16x128xf32, #tpu.memory_space<hbm>>) target(%dma_start3A_1333 : memref<2x2x16x128xf32, #tpu.memory_space<vmem>>) target_semaphore(%arg8 : memref<!tpu.dma_semaphore, #tpu.memory_space<semaphore_mem>>)
      } else {
      }
      %mul3A_361 = arith.constant 8 : i32
      %mul3A_362 = arith.muli %scan3A_241, %mul3A_361 : i32
      %add3A_363 = arith.constant 1 : i32
      %add3A_364 = arith.addi %mul3A_362, %add3A_363 : i32
      %dma_wait3A_365 = arith.constant 1 : i32
      %dma_wait3A_366 = arith.constant 0 : i32
      %dma_wait3A_367 = arith.constant 0 : i32
      %dma_wait3A_368 = arith.constant 0 : i32
      %dma_wait3A_369 = arith.constant 0 : i32
      %dma_wait3A_370 = tpu.memref_slice %arg6[%dma_wait3A_365, %dma_wait3A_366, %dma_wait3A_367, %dma_wait3A_368, %dma_wait3A_369] : memref<8x2x2x16x128xf32, #tpu.memory_space<vmem>> -> memref<1x2x2x16x128xf32, #tpu.memory_space<vmem>>
      %dma_wait3A_371 = tpu.memref_squeeze %dma_wait3A_370 : memref<1x2x2x16x128xf32, #tpu.memory_space<vmem>> -> memref<2x2x16x128xf32, #tpu.memory_space<vmem>>
      %dma_wait3A_372 = arith.constant 0 : i32
      %dma_wait3A_373 = arith.constant 0 : i32
      %dma_wait3A_374 = arith.constant 0 : i32
      %dma_wait3A_375 = arith.constant 0 : i32
      %dma_wait3A_376 = tpu.memref_slice %arg3[%dma_wait3A_372, %dma_wait3A_373, %dma_wait3A_374, %dma_wait3A_375] : memref<2x2x16x1000000xf32, #tpu.memory_space<hbm>> -> memref<2x2x16x128xf32, #tpu.memory_space<hbm>>
      %dma_wait3A_377 = arith.constant 0 : i32
      %dma_wait3A_378 = arith.constant 0 : i32
      %dma_wait3A_379 = arith.constant 0 : i32
      %dma_wait3A_380 = arith.constant 0 : i32
      %dma_wait3A_381 = tpu.memref_slice %arg6[%dma_wait3A_365, %dma_wait3A_377, %dma_wait3A_378, %dma_wait3A_379, %dma_wait3A_380] : memref<8x2x2x16x128xf32, #tpu.memory_space<vmem>> -> memref<1x2x2x16x128xf32, #tpu.memory_space<vmem>>
      %dma_wait3A_382 = tpu.memref_squeeze %dma_wait3A_381 : memref<1x2x2x16x128xf32, #tpu.memory_space<vmem>> -> memref<2x2x16x128xf32, #tpu.memory_space<vmem>>
      %dma_wait3A_383 = arith.constant 0 : i32
      %dma_wait3A_384 = arith.constant 0 : i32
      %dma_wait3A_385 = arith.constant 0 : i32
      %dma_wait3A_386 = arith.constant 0 : i32
      %dma_wait3A_387 = tpu.memref_slice %arg3[%dma_wait3A_383, %dma_wait3A_384, %dma_wait3A_385, %dma_wait3A_386] : memref<2x2x16x1000000xf32, #tpu.memory_space<hbm>> -> memref<2x2x16x128xf32, #tpu.memory_space<hbm>>
      tpu.wait_dma2 semaphore(%arg8 : memref<!tpu.dma_semaphore, #tpu.memory_space<semaphore_mem>>) src(%dma_wait3A_387 : memref<2x2x16x128xf32, #tpu.memory_space<hbm>>) dst(%dma_wait3A_382 : memref<2x2x16x128xf32, #tpu.memory_space<vmem>>)
      %get3A_388 = arith.index_cast %add3A_364 : i32 to index
      %get3A_389 = tpu.vector_load %arg5[%get3A_388] {strides = array<i32>} : memref<528xi32, #tpu.memory_space<vmem>>, vector<16xi32>,
      %slice3A_390 = vector.extract_strided_slice %get3A_389 {offsets = [0], sizes = [1], strides = [1]} : vector<16xi32> to vector<1xi32>
      %squeeze3A_391 = vector.extract %slice3A_390[0] : i32 from vector<1xi32>
      %and3A_392 = arith.constant 127 : i32
      %and3A_393 = arith.andi %squeeze3A_391, %and3A_392 : i32
      %broadcast_in_dim3A_394 = vector.broadcast %and3A_393 : i32 to vector<16xi32>
      %jit3A_395 = arith.constant 2 : i32
      %div3A_396 = arith.divsi %add3A_364, %jit3A_395 : i32
      %sign3A_397 = arith.constant 0 : i32
      %sign3A_398 = arith.cmpi sgt, %add3A_364, %sign3A_397 : i32
      %sign3A_399 = arith.extui %sign3A_398 : i1 to i32
      %sign3A_400 = arith.constant 0 : i32
      %sign3A_401 = arith.cmpi slt, %add3A_364, %sign3A_400 : i32
      %sign3A_402 = arith.extui %sign3A_401 : i1 to i32
      %sign3A_403 = arith.subi %sign3A_399, %sign3A_402 : i32
      %sign3A_404 = arith.constant 0 : i32
      %sign3A_405 = arith.cmpi sgt, %jit3A_395, %sign3A_404 : i32
      %sign3A_406 = arith.extui %sign3A_405 : i1 to i32
      %sign3A_407 = arith.constant 0 : i32
      %sign3A_408 = arith.cmpi slt, %jit3A_395, %sign3A_407 : i32
      %sign3A_409 = arith.extui %sign3A_408 : i1 to i32
      %sign3A_410 = arith.subi %sign3A_406, %sign3A_409 : i32
      %ne3A_411 = arith.cmpi ne, %sign3A_403, %sign3A_410 : i32
      %rem3A_412 = arith.remsi %add3A_364, %jit3A_395 : i32
      %ne3A_413 = arith.constant 0 : i32
      %ne3A_414 = arith.cmpi ne, %rem3A_412, %ne3A_413 : i32
      %and3A_415 = arith.andi %ne3A_411, %ne3A_414 : i1
      %sub3A_416 = arith.constant 1 : i32
      %sub3A_417 = arith.subi %div3A_396, %sub3A_416 : i32
      %select_n3A_418 = arith.select %and3A_415, %sub3A_417, %div3A_396 : i32
      %jit3A_419 = arith.constant 2 : i32
      %eq3A_420 = arith.constant 0 : i32
      %eq3A_421 = arith.cmpi eq, %jit3A_419, %eq3A_420 : i32
      %jit3A_422 = arith.constant 1 : i32
      %select_n3A_423 = arith.select %eq3A_421, %jit3A_422, %jit3A_419 : i32
      %rem3A_424 = arith.remsi %add3A_364, %select_n3A_423 : i32
      %ne3A_425 = arith.constant 0 : i32
      %ne3A_426 = arith.cmpi ne, %rem3A_424, %ne3A_425 : i32
      %lt3A_427 = arith.constant 0 : i32
      %lt3A_428 = arith.cmpi slt, %rem3A_424, %lt3A_427 : i32
      %lt3A_429 = arith.constant 0 : i32
      %lt3A_430 = arith.cmpi slt, %select_n3A_423, %lt3A_429 : i32
      %ne3A_431 = arith.xori %lt3A_428, %lt3A_430 : i1
      %and3A_432 = arith.andi %ne3A_431, %ne3A_426 : i1
      %add3A_433 = arith.addi %rem3A_424, %select_n3A_423 : i32
      %select_n3A_434 = arith.select %and3A_432, %add3A_433, %rem3A_424 : i32
      %mul3A_435 = arith.constant 64 : i32
      %mul3A_436 = arith.muli %select_n3A_434, %mul3A_435 : i32
      %gather3A_437 = arith.constant 1 : i32
      %gather3A_438 = arith.constant 0 : i32
      %gather3A_439 = arith.constant 0 : i32
      %gather3A_440 = arith.constant 0 : i32
      %gather3A_441 = arith.constant 0 : i32
      %gather3A_442 = tpu.memref_slice %arg6[%gather3A_437, %gather3A_438, %gather3A_439, %gather3A_440, %gather3A_441] : memref<8x2x2x16x128xf32, #tpu.memory_space<vmem>> -> memref<1x1x1x16x128xf32, #tpu.memory_space<vmem>>
      %gather3A_443 = tpu.memref_squeeze %gather3A_442 : memref<1x1x1x16x128xf32, #tpu.memory_space<vmem>> -> memref<16x128xf32, #tpu.memory_space<vmem>>
      %gather3A_444 = tpu.vector_load_idx %gather3A_443[%iota3A, %broadcast_in_dim3A_394] : memref<16x128xf32, #tpu.memory_space<vmem>>[vector<16xi32>, vector<16xi32>], vector<16xf32>,
      %add3A_445 = arith.constant 0 : i32
      %add3A_446 = arith.addi %mul3A_436, %add3A_445 : i32
      %swap3A_447 = arith.index_cast %select_n3A_418 : i32 to index
      %swap3A_448 = arith.index_cast %add3A_446 : i32 to index
      %swap3A_449 = tpu.vector_load %arg7[%swap3A_447, %swap3A_448] {strides = array<i32>} : memref<256x128xf32, #tpu.memory_space<vmem>>, vector<16xf32>,
      tpu.vector_store %arg7[%swap3A_447, %swap3A_448], %gather3A_444 {strides = array<i32>} : memref<256x128xf32, #tpu.memory_space<vmem>>, vector<16xf32>,
      %gather3A_450 = arith.constant 1 : i32
      %gather3A_451 = arith.constant 0 : i32
      %gather3A_452 = arith.constant 1 : i32
      %gather3A_453 = arith.constant 0 : i32
      %gather3A_454 = arith.constant 0 : i32
      %gather3A_455 = tpu.memref_slice %arg6[%gather3A_450, %gather3A_451, %gather3A_452, %gather3A_453, %gather3A_454] : memref<8x2x2x16x128xf32, #tpu.memory_space<vmem>> -> memref<1x1x1x16x128xf32, #tpu.memory_space<vmem>>
      %gather3A_456 = tpu.memref_squeeze %gather3A_455 : memref<1x1x1x16x128xf32, #tpu.memory_space<vmem>> -> memref<16x128xf32, #tpu.memory_space<vmem>>
      %gather3A_457 = tpu.vector_load_idx %gather3A_456[%iota3A, %broadcast_in_dim3A_394] : memref<16x128xf32, #tpu.memory_space<vmem>>[vector<16xi32>, vector<16xi32>], vector<16xf32>,
      %add3A_458 = arith.constant 16 : i32
      %add3A_459 = arith.addi %mul3A_436, %add3A_458 : i32
      %swap3A_460 = arith.index_cast %select_n3A_418 : i32 to index
      %swap3A_461 = arith.index_cast %add3A_459 : i32 to index
      %swap3A_462 = tpu.vector_load %arg7[%swap3A_460, %swap3A_461] {strides = array<i32>} : memref<256x128xf32, #tpu.memory_space<vmem>>, vector<16xf32>,
      tpu.vector_store %arg7[%swap3A_460, %swap3A_461], %gather3A_457 {strides = array<i32>} : memref<256x128xf32, #tpu.memory_space<vmem>>, vector<16xf32>,
      %gather3A_463 = arith.constant 1 : i32
      %gather3A_464 = arith.constant 1 : i32
      %gather3A_465 = arith.constant 0 : i32
      %gather3A_466 = arith.constant 0 : i32
      %gather3A_467 = arith.constant 0 : i32
      %gather3A_468 = tpu.memref_slice %arg6[%gather3A_463, %gather3A_464, %gather3A_465, %gather3A_466, %gather3A_467] : memref<8x2x2x16x128xf32, #tpu.memory_space<vmem>> -> memref<1x1x1x16x128xf32, #tpu.memory_space<vmem>>
      %gather3A_469 = tpu.memref_squeeze %gather3A_468 : memref<1x1x1x16x128xf32, #tpu.memory_space<vmem>> -> memref<16x128xf32, #tpu.memory_space<vmem>>
      %gather3A_470 = tpu.vector_load_idx %gather3A_469[%iota3A, %broadcast_in_dim3A_394] : memref<16x128xf32, #tpu.memory_space<vmem>>[vector<16xi32>, vector<16xi32>], vector<16xf32>,
      %add3A_471 = arith.constant 32 : i32
      %add3A_472 = arith.addi %mul3A_436, %add3A_471 : i32
      %swap3A_473 = arith.index_cast %select_n3A_418 : i32 to index
      %swap3A_474 = arith.index_cast %add3A_472 : i32 to index
      %swap3A_475 = tpu.vector_load %arg7[%swap3A_473, %swap3A_474] {strides = array<i32>} : memref<256x128xf32, #tpu.memory_space<vmem>>, vector<16xf32>,
      tpu.vector_store %arg7[%swap3A_473, %swap3A_474], %gather3A_470 {strides = array<i32>} : memref<256x128xf32, #tpu.memory_space<vmem>>, vector<16xf32>,
      %gather3A_476 = arith.constant 1 : i32
      %gather3A_477 = arith.constant 1 : i32
      %gather3A_478 = arith.constant 1 : i32
      %gather3A_479 = arith.constant 0 : i32
      %gather3A_480 = arith.constant 0 : i32
      %gather3A_481 = tpu.memref_slice %arg6[%gather3A_476, %gather3A_477, %gather3A_478, %gather3A_479, %gather3A_480] : memref<8x2x2x16x128xf32, #tpu.memory_space<vmem>> -> memref<1x1x1x16x128xf32, #tpu.memory_space<vmem>>
      %gather3A_482 = tpu.memref_squeeze %gather3A_481 : memref<1x1x1x16x128xf32, #tpu.memory_space<vmem>> -> memref<16x128xf32, #tpu.memory_space<vmem>>
      %gather3A_483 = tpu.vector_load_idx %gather3A_482[%iota3A, %broadcast_in_dim3A_394] : memref<16x128xf32, #tpu.memory_space<vmem>>[vector<16xi32>, vector<16xi32>], vector<16xf32>,
      %add3A_484 = arith.constant 48 : i32
      %add3A_485 = arith.addi %mul3A_436, %add3A_484 : i32
      %swap3A_486 = arith.index_cast %select_n3A_418 : i32 to index
      %swap3A_487 = arith.index_cast %add3A_485 : i32 to index
      %swap3A_488 = tpu.vector_load %arg7[%swap3A_486, %swap3A_487] {strides = array<i32>} : memref<256x128xf32, #tpu.memory_space<vmem>>, vector<16xf32>,
      tpu.vector_store %arg7[%swap3A_486, %swap3A_487], %gather3A_483 {strides = array<i32>} : memref<256x128xf32, #tpu.memory_space<vmem>>, vector<16xf32>,
      %add3A_489 = arith.constant 1 : i32
      %add3A_490 = arith.addi %scan3A_241, %add3A_489 : i32
      %lt3A_491 = arith.constant 64 : i32
      %lt3A_492 = arith.cmpi slt, %add3A_490, %lt3A_491 : i32
      %convert_element_type3A_493 = arith.extui %lt3A_492 : i1 to i32
      %cond3A_494 = arith.constant 0 : i32
      %cond3A_495 = arith.cmpi ne, %convert_element_type3A_493, %cond3A_494 : i32
      scf.if %cond3A_495 {
        %add3A_1306 = arith.constant 8 : i32
        %add3A_1307 = arith.addi %add3A_364, %add3A_1306 : i32
        %get3A_1308 = arith.index_cast %add3A_1307 : i32 to index
        %get3A_1309 = tpu.vector_load %arg5[%get3A_1308] {strides = array<i32>} : memref<528xi32, #tpu.memory_space<vmem>>, vector<16xi32>,
        %slice3A_1310 = vector.extract_strided_slice %get3A_1309 {offsets = [0], sizes = [1], strides = [1]} : vector<16xi32> to vector<1xi32>
        %squeeze3A_1311 = vector.extract %slice3A_1310[0] : i32 from vector<1xi32>
        %shift_right_arithmetic3A_1312 = arith.constant 7 : i32
        %shift_right_arithmetic3A_1313 = arith.shrsi %squeeze3A_1311, %shift_right_arithmetic3A_1312 : i32
        %shift_left3A_1314 = arith.constant 7 : i32
        %shift_left3A_1315 = arith.shli %shift_right_arithmetic3A_1313, %shift_left3A_1314 : i32
        %multiple_of3A_1316 = tpu.assume_multiple %shift_left3A_1315, 128 : i32
        %dma_start3A_1317 = arith.constant 1 : i32
        %dma_start3A_1318 = arith.constant 0 : i32
        %dma_start3A_1319 = arith.constant 0 : i32
        %dma_start3A_1320 = arith.constant 0 : i32
        %dma_start3A_1321 = arith.constant 0 : i32
        %dma_start3A_1322 = tpu.memref_slice %arg6[%dma_start3A_1317, %dma_start3A_1318, %dma_start3A_1319, %dma_start3A_1320, %dma_start3A_1321] : memref<8x2x2x16x128xf32, #tpu.memory_space<vmem>> -> memref<1x2x2x16x128xf32, #tpu.memory_space<vmem>>
        %dma_start3A_1323 = tpu.memref_squeeze %dma_start3A_1322 : memref<1x2x2x16x128xf32, #tpu.memory_space<vmem>> -> memref<2x2x16x128xf32, #tpu.memory_space<vmem>>
        %dma_start3A_1324 = arith.constant 0 : i32
        %dma_start3A_1325 = arith.constant 0 : i32
        %dma_start3A_1326 = arith.constant 0 : i32
        %dma_start3A_1327 = tpu.memref_slice %arg3[%dma_start3A_1324, %dma_start3A_1325, %dma_start3A_1326, %multiple_of3A_1316] : memref<2x2x16x1000000xf32, #tpu.memory_space<hbm>> -> memref<2x2x16x128xf32, #tpu.memory_space<hbm>>
        %dma_start3A_1328 = arith.constant 0 : i32
        %dma_start3A_1329 = arith.constant 0 : i32
        %dma_start3A_1330 = arith.constant 0 : i32
        %dma_start3A_1331 = arith.constant 0 : i32
        %dma_start3A_1332 = tpu.memref_slice %arg6[%dma_start3A_1317, %dma_start3A_1328, %dma_start3A_1329, %dma_start3A_1330, %dma_start3A_1331] : memref<8x2x2x16x128xf32, #tpu.memory_space<vmem>> -> memref<1x2x2x16x128xf32, #tpu.memory_space<vmem>>
        %dma_start3A_1333 = tpu.memref_squeeze %dma_start3A_1332 : memref<1x2x2x16x128xf32, #tpu.memory_space<vmem>> -> memref<2x2x16x128xf32, #tpu.memory_space<vmem>>
        %dma_start3A_1334 = arith.constant 0 : i32
        %dma_start3A_1335 = arith.constant 0 : i32
        %dma_start3A_1336 = arith.constant 0 : i32
        %dma_start3A_1337 = tpu.memref_slice %arg3[%dma_start3A_1334, %dma_start3A_1335, %dma_start3A_1336, %multiple_of3A_1316] : memref<2x2x16x1000000xf32, #tpu.memory_space<hbm>> -> memref<2x2x16x128xf32, #tpu.memory_space<hbm>>
        tpu.enqueue_dma source(%dma_start3A_1337 : memref<2x2x16x128xf32, #tpu.memory_space<hbm>>) target(%dma_start3A_1333 : memref<2x2x16x128xf32, #tpu.memory_space<vmem>>) target_semaphore(%arg8 : memref<!tpu.dma_semaphore, #tpu.memory_space<semaphore_mem>>)
      } else {
      }
      %mul3A_496 = arith.constant 8 : i32
      %mul3A_497 = arith.muli %scan3A_241, %mul3A_496 : i32
      %add3A_498 = arith.constant 2 : i32
      %add3A_499 = arith.addi %mul3A_497, %add3A_498 : i32
      %dma_wait3A_500 = arith.constant 2 : i32
      %dma_wait3A_501 = arith.constant 0 : i32
      %dma_wait3A_502 = arith.constant 0 : i32
      %dma_wait3A_503 = arith.constant 0 : i32
      %dma_wait3A_504 = arith.constant 0 : i32
      %dma_wait3A_505 = tpu.memref_slice %arg6[%dma_wait3A_500, %dma_wait3A_501, %dma_wait3A_502, %dma_wait3A_503, %dma_wait3A_504] : memref<8x2x2x16x128xf32, #tpu.memory_space<vmem>> -> memref<1x2x2x16x128xf32, #tpu.memory_space<vmem>>
      %dma_wait3A_506 = tpu.memref_squeeze %dma_wait3A_505 : memref<1x2x2x16x128xf32, #tpu.memory_space<vmem>> -> memref<2x2x16x128xf32, #tpu.memory_space<vmem>>
      %dma_wait3A_507 = arith.constant 0 : i32
      %dma_wait3A_508 = arith.constant 0 : i32
      %dma_wait3A_509 = arith.constant 0 : i32
      %dma_wait3A_510 = arith.constant 0 : i32
      %dma_wait3A_511 = tpu.memref_slice %arg3[%dma_wait3A_507, %dma_wait3A_508, %dma_wait3A_509, %dma_wait3A_510] : memref<2x2x16x1000000xf32, #tpu.memory_space<hbm>> -> memref<2x2x16x128xf32, #tpu.memory_space<hbm>>
      %dma_wait3A_512 = arith.constant 0 : i32
      %dma_wait3A_513 = arith.constant 0 : i32
      %dma_wait3A_514 = arith.constant 0 : i32
      %dma_wait3A_515 = arith.constant 0 : i32
      %dma_wait3A_516 = tpu.memref_slice %arg6[%dma_wait3A_500, %dma_wait3A_512, %dma_wait3A_513, %dma_wait3A_514, %dma_wait3A_515] : memref<8x2x2x16x128xf32, #tpu.memory_space<vmem>> -> memref<1x2x2x16x128xf32, #tpu.memory_space<vmem>>
      %dma_wait3A_517 = tpu.memref_squeeze %dma_wait3A_516 : memref<1x2x2x16x128xf32, #tpu.memory_space<vmem>> -> memref<2x2x16x128xf32, #tpu.memory_space<vmem>>
      %dma_wait3A_518 = arith.constant 0 : i32
      %dma_wait3A_519 = arith.constant 0 : i32
      %dma_wait3A_520 = arith.constant 0 : i32
      %dma_wait3A_521 = arith.constant 0 : i32
      %dma_wait3A_522 = tpu.memref_slice %arg3[%dma_wait3A_518, %dma_wait3A_519, %dma_wait3A_520, %dma_wait3A_521] : memref<2x2x16x1000000xf32, #tpu.memory_space<hbm>> -> memref<2x2x16x128xf32, #tpu.memory_space<hbm>>
      tpu.wait_dma2 semaphore(%arg8 : memref<!tpu.dma_semaphore, #tpu.memory_space<semaphore_mem>>) src(%dma_wait3A_522 : memref<2x2x16x128xf32, #tpu.memory_space<hbm>>) dst(%dma_wait3A_517 : memref<2x2x16x128xf32, #tpu.memory_space<vmem>>)
      %get3A_523 = arith.index_cast %add3A_499 : i32 to index
      %get3A_524 = tpu.vector_load %arg5[%get3A_523] {strides = array<i32>} : memref<528xi32, #tpu.memory_space<vmem>>, vector<16xi32>,
      %slice3A_525 = vector.extract_strided_slice %get3A_524 {offsets = [0], sizes = [1], strides = [1]} : vector<16xi32> to vector<1xi32>
      %squeeze3A_526 = vector.extract %slice3A_525[0] : i32 from vector<1xi32>
      %and3A_527 = arith.constant 127 : i32
      %and3A_528 = arith.andi %squeeze3A_526, %and3A_527 : i32
      %broadcast_in_dim3A_529 = vector.broadcast %and3A_528 : i32 to vector<16xi32>
      %jit3A_530 = arith.constant 2 : i32
      %div3A_531 = arith.divsi %add3A_499, %jit3A_530 : i32
      %sign3A_532 = arith.constant 0 : i32
      %sign3A_533 = arith.cmpi sgt, %add3A_499, %sign3A_532 : i32
      %sign3A_534 = arith.extui %sign3A_533 : i1 to i32
      %sign3A_535 = arith.constant 0 : i32
      %sign3A_536 = arith.cmpi slt, %add3A_499, %sign3A_535 : i32
      %sign3A_537 = arith.extui %sign3A_536 : i1 to i32
      %sign3A_538 = arith.subi %sign3A_534, %sign3A_537 : i32
      %sign3A_539 = arith.constant 0 : i32
      %sign3A_540 = arith.cmpi sgt, %jit3A_530, %sign3A_539 : i32
      %sign3A_541 = arith.extui %sign3A_540 : i1 to i32
      %sign3A_542 = arith.constant 0 : i32
      %sign3A_543 = arith.cmpi slt, %jit3A_530, %sign3A_542 : i32
      %sign3A_544 = arith.extui %sign3A_543 : i1 to i32
      %sign3A_545 = arith.subi %sign3A_541, %sign3A_544 : i32
      %ne3A_546 = arith.cmpi ne, %sign3A_538, %sign3A_545 : i32
      %rem3A_547 = arith.remsi %add3A_499, %jit3A_530 : i32
      %ne3A_548 = arith.constant 0 : i32
      %ne3A_549 = arith.cmpi ne, %rem3A_547, %ne3A_548 : i32
      %and3A_550 = arith.andi %ne3A_546, %ne3A_549 : i1
      %sub3A_551 = arith.constant 1 : i32
      %sub3A_552 = arith.subi %div3A_531, %sub3A_551 : i32
      %select_n3A_553 = arith.select %and3A_550, %sub3A_552, %div3A_531 : i32
      %jit3A_554 = arith.constant 2 : i32
      %eq3A_555 = arith.constant 0 : i32
      %eq3A_556 = arith.cmpi eq, %jit3A_554, %eq3A_555 : i32
      %jit3A_557 = arith.constant 1 : i32
      %select_n3A_558 = arith.select %eq3A_556, %jit3A_557, %jit3A_554 : i32
      %rem3A_559 = arith.remsi %add3A_499, %select_n3A_558 : i32
      %ne3A_560 = arith.constant 0 : i32
      %ne3A_561 = arith.cmpi ne, %rem3A_559, %ne3A_560 : i32
      %lt3A_562 = arith.constant 0 : i32
      %lt3A_563 = arith.cmpi slt, %rem3A_559, %lt3A_562 : i32
      %lt3A_564 = arith.constant 0 : i32
      %lt3A_565 = arith.cmpi slt, %select_n3A_558, %lt3A_564 : i32
      %ne3A_566 = arith.xori %lt3A_563, %lt3A_565 : i1
      %and3A_567 = arith.andi %ne3A_566, %ne3A_561 : i1
      %add3A_568 = arith.addi %rem3A_559, %select_n3A_558 : i32
      %select_n3A_569 = arith.select %and3A_567, %add3A_568, %rem3A_559 : i32
      %mul3A_570 = arith.constant 64 : i32
      %mul3A_571 = arith.muli %select_n3A_569, %mul3A_570 : i32
      %gather3A_572 = arith.constant 2 : i32
      %gather3A_573 = arith.constant 0 : i32
      %gather3A_574 = arith.constant 0 : i32
      %gather3A_575 = arith.constant 0 : i32
      %gather3A_576 = arith.constant 0 : i32
      %gather3A_577 = tpu.memref_slice %arg6[%gather3A_572, %gather3A_573, %gather3A_574, %gather3A_575, %gather3A_576] : memref<8x2x2x16x128xf32, #tpu.memory_space<vmem>> -> memref<1x1x1x16x128xf32, #tpu.memory_space<vmem>>
      %gather3A_578 = tpu.memref_squeeze %gather3A_577 : memref<1x1x1x16x128xf32, #tpu.memory_space<vmem>> -> memref<16x128xf32, #tpu.memory_space<vmem>>
      %gather3A_579 = tpu.vector_load_idx %gather3A_578[%iota3A, %broadcast_in_dim3A_529] : memref<16x128xf32, #tpu.memory_space<vmem>>[vector<16xi32>, vector<16xi32>], vector<16xf32>,
      %add3A_580 = arith.constant 0 : i32
      %add3A_581 = arith.addi %mul3A_571, %add3A_580 : i32
      %swap3A_582 = arith.index_cast %select_n3A_553 : i32 to index
      %swap3A_583 = arith.index_cast %add3A_581 : i32 to index
      %swap3A_584 = tpu.vector_load %arg7[%swap3A_582, %swap3A_583] {strides = array<i32>} : memref<256x128xf32, #tpu.memory_space<vmem>>, vector<16xf32>,
      tpu.vector_store %arg7[%swap3A_582, %swap3A_583], %gather3A_579 {strides = array<i32>} : memref<256x128xf32, #tpu.memory_space<vmem>>, vector<16xf32>,
      %gather3A_585 = arith.constant 2 : i32
      %gather3A_586 = arith.constant 0 : i32
      %gather3A_587 = arith.constant 1 : i32
      %gather3A_588 = arith.constant 0 : i32
      %gather3A_589 = arith.constant 0 : i32
      %gather3A_590 = tpu.memref_slice %arg6[%gather3A_585, %gather3A_586, %gather3A_587, %gather3A_588, %gather3A_589] : memref<8x2x2x16x128xf32, #tpu.memory_space<vmem>> -> memref<1x1x1x16x128xf32, #tpu.memory_space<vmem>>
      %gather3A_591 = tpu.memref_squeeze %gather3A_590 : memref<1x1x1x16x128xf32, #tpu.memory_space<vmem>> -> memref<16x128xf32, #tpu.memory_space<vmem>>
      %gather3A_592 = tpu.vector_load_idx %gather3A_591[%iota3A, %broadcast_in_dim3A_529] : memref<16x128xf32, #tpu.memory_space<vmem>>[vector<16xi32>, vector<16xi32>], vector<16xf32>,
      %add3A_593 = arith.constant 16 : i32
      %add3A_594 = arith.addi %mul3A_571, %add3A_593 : i32
      %swap3A_595 = arith.index_cast %select_n3A_553 : i32 to index
      %swap3A_596 = arith.index_cast %add3A_594 : i32 to index
      %swap3A_597 = tpu.vector_load %arg7[%swap3A_595, %swap3A_596] {strides = array<i32>} : memref<256x128xf32, #tpu.memory_space<vmem>>, vector<16xf32>,
      tpu.vector_store %arg7[%swap3A_595, %swap3A_596], %gather3A_592 {strides = array<i32>} : memref<256x128xf32, #tpu.memory_space<vmem>>, vector<16xf32>,
      %gather3A_598 = arith.constant 2 : i32
      %gather3A_599 = arith.constant 1 : i32
      %gather3A_600 = arith.constant 0 : i32
      %gather3A_601 = arith.constant 0 : i32
      %gather3A_602 = arith.constant 0 : i32
      %gather3A_603 = tpu.memref_slice %arg6[%gather3A_598, %gather3A_599, %gather3A_600, %gather3A_601, %gather3A_602] : memref<8x2x2x16x128xf32, #tpu.memory_space<vmem>> -> memref<1x1x1x16x128xf32, #tpu.memory_space<vmem>>
      %gather3A_604 = tpu.memref_squeeze %gather3A_603 : memref<1x1x1x16x128xf32, #tpu.memory_space<vmem>> -> memref<16x128xf32, #tpu.memory_space<vmem>>
      %gather3A_605 = tpu.vector_load_idx %gather3A_604[%iota3A, %broadcast_in_dim3A_529] : memref<16x128xf32, #tpu.memory_space<vmem>>[vector<16xi32>, vector<16xi32>], vector<16xf32>,
      %add3A_606 = arith.constant 32 : i32
      %add3A_607 = arith.addi %mul3A_571, %add3A_606 : i32
      %swap3A_608 = arith.index_cast %select_n3A_553 : i32 to index
      %swap3A_609 = arith.index_cast %add3A_607 : i32 to index
      %swap3A_610 = tpu.vector_load %arg7[%swap3A_608, %swap3A_609] {strides = array<i32>} : memref<256x128xf32, #tpu.memory_space<vmem>>, vector<16xf32>,
      tpu.vector_store %arg7[%swap3A_608, %swap3A_609], %gather3A_605 {strides = array<i32>} : memref<256x128xf32, #tpu.memory_space<vmem>>, vector<16xf32>,
      %gather3A_611 = arith.constant 2 : i32
      %gather3A_612 = arith.constant 1 : i32
      %gather3A_613 = arith.constant 1 : i32
      %gather3A_614 = arith.constant 0 : i32
      %gather3A_615 = arith.constant 0 : i32
      %gather3A_616 = tpu.memref_slice %arg6[%gather3A_611, %gather3A_612, %gather3A_613, %gather3A_614, %gather3A_615] : memref<8x2x2x16x128xf32, #tpu.memory_space<vmem>> -> memref<1x1x1x16x128xf32, #tpu.memory_space<vmem>>
      %gather3A_617 = tpu.memref_squeeze %gather3A_616 : memref<1x1x1x16x128xf32, #tpu.memory_space<vmem>> -> memref<16x128xf32, #tpu.memory_space<vmem>>
      %gather3A_618 = tpu.vector_load_idx %gather3A_617[%iota3A, %broadcast_in_dim3A_529] : memref<16x128xf32, #tpu.memory_space<vmem>>[vector<16xi32>, vector<16xi32>], vector<16xf32>,
      %add3A_619 = arith.constant 48 : i32
      %add3A_620 = arith.addi %mul3A_571, %add3A_619 : i32
      %swap3A_621 = arith.index_cast %select_n3A_553 : i32 to index
      %swap3A_622 = arith.index_cast %add3A_620 : i32 to index
      %swap3A_623 = tpu.vector_load %arg7[%swap3A_621, %swap3A_622] {strides = array<i32>} : memref<256x128xf32, #tpu.memory_space<vmem>>, vector<16xf32>,
      tpu.vector_store %arg7[%swap3A_621, %swap3A_622], %gather3A_618 {strides = array<i32>} : memref<256x128xf32, #tpu.memory_space<vmem>>, vector<16xf32>,
      %add3A_624 = arith.constant 1 : i32
      %add3A_625 = arith.addi %scan3A_241, %add3A_624 : i32
      %lt3A_626 = arith.constant 64 : i32
      %lt3A_627 = arith.cmpi slt, %add3A_625, %lt3A_626 : i32
      %convert_element_type3A_628 = arith.extui %lt3A_627 : i1 to i32
      %cond3A_629 = arith.constant 0 : i32
      %cond3A_630 = arith.cmpi ne, %convert_element_type3A_628, %cond3A_629 : i32
      scf.if %cond3A_630 {
        %add3A_1306 = arith.constant 8 : i32
        %add3A_1307 = arith.addi %add3A_499, %add3A_1306 : i32
        %get3A_1308 = arith.index_cast %add3A_1307 : i32 to index
        %get3A_1309 = tpu.vector_load %arg5[%get3A_1308] {strides = array<i32>} : memref<528xi32, #tpu.memory_space<vmem>>, vector<16xi32>,
        %slice3A_1310 = vector.extract_strided_slice %get3A_1309 {offsets = [0], sizes = [1], strides = [1]} : vector<16xi32> to vector<1xi32>
        %squeeze3A_1311 = vector.extract %slice3A_1310[0] : i32 from vector<1xi32>
        %shift_right_arithmetic3A_1312 = arith.constant 7 : i32
        %shift_right_arithmetic3A_1313 = arith.shrsi %squeeze3A_1311, %shift_right_arithmetic3A_1312 : i32
        %shift_left3A_1314 = arith.constant 7 : i32
        %shift_left3A_1315 = arith.shli %shift_right_arithmetic3A_1313, %shift_left3A_1314 : i32
        %multiple_of3A_1316 = tpu.assume_multiple %shift_left3A_1315, 128 : i32
        %dma_start3A_1317 = arith.constant 2 : i32
        %dma_start3A_1318 = arith.constant 0 : i32
        %dma_start3A_1319 = arith.constant 0 : i32
        %dma_start3A_1320 = arith.constant 0 : i32
        %dma_start3A_1321 = arith.constant 0 : i32
        %dma_start3A_1322 = tpu.memref_slice %arg6[%dma_start3A_1317, %dma_start3A_1318, %dma_start3A_1319, %dma_start3A_1320, %dma_start3A_1321] : memref<8x2x2x16x128xf32, #tpu.memory_space<vmem>> -> memref<1x2x2x16x128xf32, #tpu.memory_space<vmem>>
        %dma_start3A_1323 = tpu.memref_squeeze %dma_start3A_1322 : memref<1x2x2x16x128xf32, #tpu.memory_space<vmem>> -> memref<2x2x16x128xf32, #tpu.memory_space<vmem>>
        %dma_start3A_1324 = arith.constant 0 : i32
        %dma_start3A_1325 = arith.constant 0 : i32
        %dma_start3A_1326 = arith.constant 0 : i32
        %dma_start3A_1327 = tpu.memref_slice %arg3[%dma_start3A_1324, %dma_start3A_1325, %dma_start3A_1326, %multiple_of3A_1316] : memref<2x2x16x1000000xf32, #tpu.memory_space<hbm>> -> memref<2x2x16x128xf32, #tpu.memory_space<hbm>>
        %dma_start3A_1328 = arith.constant 0 : i32
        %dma_start3A_1329 = arith.constant 0 : i32
        %dma_start3A_1330 = arith.constant 0 : i32
        %dma_start3A_1331 = arith.constant 0 : i32
        %dma_start3A_1332 = tpu.memref_slice %arg6[%dma_start3A_1317, %dma_start3A_1328, %dma_start3A_1329, %dma_start3A_1330, %dma_start3A_1331] : memref<8x2x2x16x128xf32, #tpu.memory_space<vmem>> -> memref<1x2x2x16x128xf32, #tpu.memory_space<vmem>>
        %dma_start3A_1333 = tpu.memref_squeeze %dma_start3A_1332 : memref<1x2x2x16x128xf32, #tpu.memory_space<vmem>> -> memref<2x2x16x128xf32, #tpu.memory_space<vmem>>
        %dma_start3A_1334 = arith.constant 0 : i32
        %dma_start3A_1335 = arith.constant 0 : i32
        %dma_start3A_1336 = arith.constant 0 : i32
        %dma_start3A_1337 = tpu.memref_slice %arg3[%dma_start3A_1334, %dma_start3A_1335, %dma_start3A_1336, %multiple_of3A_1316] : memref<2x2x16x1000000xf32, #tpu.memory_space<hbm>> -> memref<2x2x16x128xf32, #tpu.memory_space<hbm>>
        tpu.enqueue_dma source(%dma_start3A_1337 : memref<2x2x16x128xf32, #tpu.memory_space<hbm>>) target(%dma_start3A_1333 : memref<2x2x16x128xf32, #tpu.memory_space<vmem>>) target_semaphore(%arg8 : memref<!tpu.dma_semaphore, #tpu.memory_space<semaphore_mem>>)
      } else {
      }
      %mul3A_631 = arith.constant 8 : i32
      %mul3A_632 = arith.muli %scan3A_241, %mul3A_631 : i32
      %add3A_633 = arith.constant 3 : i32
      %add3A_634 = arith.addi %mul3A_632, %add3A_633 : i32
      %dma_wait3A_635 = arith.constant 3 : i32
      %dma_wait3A_636 = arith.constant 0 : i32
      %dma_wait3A_637 = arith.constant 0 : i32
      %dma_wait3A_638 = arith.constant 0 : i32
      %dma_wait3A_639 = arith.constant 0 : i32
      %dma_wait3A_640 = tpu.memref_slice %arg6[%dma_wait3A_635, %dma_wait3A_636, %dma_wait3A_637, %dma_wait3A_638, %dma_wait3A_639] : memref<8x2x2x16x128xf32, #tpu.memory_space<vmem>> -> memref<1x2x2x16x128xf32, #tpu.memory_space<vmem>>
      %dma_wait3A_641 = tpu.memref_squeeze %dma_wait3A_640 : memref<1x2x2x16x128xf32, #tpu.memory_space<vmem>> -> memref<2x2x16x128xf32, #tpu.memory_space<vmem>>
      %dma_wait3A_642 = arith.constant 0 : i32
      %dma_wait3A_643 = arith.constant 0 : i32
      %dma_wait3A_644 = arith.constant 0 : i32
      %dma_wait3A_645 = arith.constant 0 : i32
      %dma_wait3A_646 = tpu.memref_slice %arg3[%dma_wait3A_642, %dma_wait3A_643, %dma_wait3A_644, %dma_wait3A_645] : memref<2x2x16x1000000xf32, #tpu.memory_space<hbm>> -> memref<2x2x16x128xf32, #tpu.memory_space<hbm>>
      %dma_wait3A_647 = arith.constant 0 : i32
      %dma_wait3A_648 = arith.constant 0 : i32
      %dma_wait3A_649 = arith.constant 0 : i32
      %dma_wait3A_650 = arith.constant 0 : i32
      %dma_wait3A_651 = tpu.memref_slice %arg6[%dma_wait3A_635, %dma_wait3A_647, %dma_wait3A_648, %dma_wait3A_649, %dma_wait3A_650] : memref<8x2x2x16x128xf32, #tpu.memory_space<vmem>> -> memref<1x2x2x16x128xf32, #tpu.memory_space<vmem>>
      %dma_wait3A_652 = tpu.memref_squeeze %dma_wait3A_651 : memref<1x2x2x16x128xf32, #tpu.memory_space<vmem>> -> memref<2x2x16x128xf32, #tpu.memory_space<vmem>>
      %dma_wait3A_653 = arith.constant 0 : i32
      %dma_wait3A_654 = arith.constant 0 : i32
      %dma_wait3A_655 = arith.constant 0 : i32
      %dma_wait3A_656 = arith.constant 0 : i32
      %dma_wait3A_657 = tpu.memref_slice %arg3[%dma_wait3A_653, %dma_wait3A_654, %dma_wait3A_655, %dma_wait3A_656] : memref<2x2x16x1000000xf32, #tpu.memory_space<hbm>> -> memref<2x2x16x128xf32, #tpu.memory_space<hbm>>
      tpu.wait_dma2 semaphore(%arg8 : memref<!tpu.dma_semaphore, #tpu.memory_space<semaphore_mem>>) src(%dma_wait3A_657 : memref<2x2x16x128xf32, #tpu.memory_space<hbm>>) dst(%dma_wait3A_652 : memref<2x2x16x128xf32, #tpu.memory_space<vmem>>)
      %get3A_658 = arith.index_cast %add3A_634 : i32 to index
      %get3A_659 = tpu.vector_load %arg5[%get3A_658] {strides = array<i32>} : memref<528xi32, #tpu.memory_space<vmem>>, vector<16xi32>,
      %slice3A_660 = vector.extract_strided_slice %get3A_659 {offsets = [0], sizes = [1], strides = [1]} : vector<16xi32> to vector<1xi32>
      %squeeze3A_661 = vector.extract %slice3A_660[0] : i32 from vector<1xi32>
      %and3A_662 = arith.constant 127 : i32
      %and3A_663 = arith.andi %squeeze3A_661, %and3A_662 : i32
      %broadcast_in_dim3A_664 = vector.broadcast %and3A_663 : i32 to vector<16xi32>
      %jit3A_665 = arith.constant 2 : i32
      %div3A_666 = arith.divsi %add3A_634, %jit3A_665 : i32
      %sign3A_667 = arith.constant 0 : i32
      %sign3A_668 = arith.cmpi sgt, %add3A_634, %sign3A_667 : i32
      %sign3A_669 = arith.extui %sign3A_668 : i1 to i32
      %sign3A_670 = arith.constant 0 : i32
      %sign3A_671 = arith.cmpi slt, %add3A_634, %sign3A_670 : i32
      %sign3A_672 = arith.extui %sign3A_671 : i1 to i32
      %sign3A_673 = arith.subi %sign3A_669, %sign3A_672 : i32
      %sign3A_674 = arith.constant 0 : i32
      %sign3A_675 = arith.cmpi sgt, %jit3A_665, %sign3A_674 : i32
      %sign3A_676 = arith.extui %sign3A_675 : i1 to i32
      %sign3A_677 = arith.constant 0 : i32
      %sign3A_678 = arith.cmpi slt, %jit3A_665, %sign3A_677 : i32
      %sign3A_679 = arith.extui %sign3A_678 : i1 to i32
      %sign3A_680 = arith.subi %sign3A_676, %sign3A_679 : i32
      %ne3A_681 = arith.cmpi ne, %sign3A_673, %sign3A_680 : i32
      %rem3A_682 = arith.remsi %add3A_634, %jit3A_665 : i32
      %ne3A_683 = arith.constant 0 : i32
      %ne3A_684 = arith.cmpi ne, %rem3A_682, %ne3A_683 : i32
      %and3A_685 = arith.andi %ne3A_681, %ne3A_684 : i1
      %sub3A_686 = arith.constant 1 : i32
      %sub3A_687 = arith.subi %div3A_666, %sub3A_686 : i32
      %select_n3A_688 = arith.select %and3A_685, %sub3A_687, %div3A_666 : i32
      %jit3A_689 = arith.constant 2 : i32
      %eq3A_690 = arith.constant 0 : i32
      %eq3A_691 = arith.cmpi eq, %jit3A_689, %eq3A_690 : i32
      %jit3A_692 = arith.constant 1 : i32
      %select_n3A_693 = arith.select %eq3A_691, %jit3A_692, %jit3A_689 : i32
      %rem3A_694 = arith.remsi %add3A_634, %select_n3A_693 : i32
      %ne3A_695 = arith.constant 0 : i32
      %ne3A_696 = arith.cmpi ne, %rem3A_694, %ne3A_695 : i32
      %lt3A_697 = arith.constant 0 : i32
      %lt3A_698 = arith.cmpi slt, %rem3A_694, %lt3A_697 : i32
      %lt3A_699 = arith.constant 0 : i32
      %lt3A_700 = arith.cmpi slt, %select_n3A_693, %lt3A_699 : i32
      %ne3A_701 = arith.xori %lt3A_698, %lt3A_700 : i1
      %and3A_702 = arith.andi %ne3A_701, %ne3A_696 : i1
      %add3A_703 = arith.addi %rem3A_694, %select_n3A_693 : i32
      %select_n3A_704 = arith.select %and3A_702, %add3A_703, %rem3A_694 : i32
      %mul3A_705 = arith.constant 64 : i32
      %mul3A_706 = arith.muli %select_n3A_704, %mul3A_705 : i32
      %gather3A_707 = arith.constant 3 : i32
      %gather3A_708 = arith.constant 0 : i32
      %gather3A_709 = arith.constant 0 : i32
      %gather3A_710 = arith.constant 0 : i32
      %gather3A_711 = arith.constant 0 : i32
      %gather3A_712 = tpu.memref_slice %arg6[%gather3A_707, %gather3A_708, %gather3A_709, %gather3A_710, %gather3A_711] : memref<8x2x2x16x128xf32, #tpu.memory_space<vmem>> -> memref<1x1x1x16x128xf32, #tpu.memory_space<vmem>>
      %gather3A_713 = tpu.memref_squeeze %gather3A_712 : memref<1x1x1x16x128xf32, #tpu.memory_space<vmem>> -> memref<16x128xf32, #tpu.memory_space<vmem>>
      %gather3A_714 = tpu.vector_load_idx %gather3A_713[%iota3A, %broadcast_in_dim3A_664] : memref<16x128xf32, #tpu.memory_space<vmem>>[vector<16xi32>, vector<16xi32>], vector<16xf32>,
      %add3A_715 = arith.constant 0 : i32
      %add3A_716 = arith.addi %mul3A_706, %add3A_715 : i32
      %swap3A_717 = arith.index_cast %select_n3A_688 : i32 to index
      %swap3A_718 = arith.index_cast %add3A_716 : i32 to index
      %swap3A_719 = tpu.vector_load %arg7[%swap3A_717, %swap3A_718] {strides = array<i32>} : memref<256x128xf32, #tpu.memory_space<vmem>>, vector<16xf32>,
      tpu.vector_store %arg7[%swap3A_717, %swap3A_718], %gather3A_714 {strides = array<i32>} : memref<256x128xf32, #tpu.memory_space<vmem>>, vector<16xf32>,
      %gather3A_720 = arith.constant 3 : i32
      %gather3A_721 = arith.constant 0 : i32
      %gather3A_722 = arith.constant 1 : i32
      %gather3A_723 = arith.constant 0 : i32
      %gather3A_724 = arith.constant 0 : i32
      %gather3A_725 = tpu.memref_slice %arg6[%gather3A_720, %gather3A_721, %gather3A_722, %gather3A_723, %gather3A_724] : memref<8x2x2x16x128xf32, #tpu.memory_space<vmem>> -> memref<1x1x1x16x128xf32, #tpu.memory_space<vmem>>
      %gather3A_726 = tpu.memref_squeeze %gather3A_725 : memref<1x1x1x16x128xf32, #tpu.memory_space<vmem>> -> memref<16x128xf32, #tpu.memory_space<vmem>>
      %gather3A_727 = tpu.vector_load_idx %gather3A_726[%iota3A, %broadcast_in_dim3A_664] : memref<16x128xf32, #tpu.memory_space<vmem>>[vector<16xi32>, vector<16xi32>], vector<16xf32>,
      %add3A_728 = arith.constant 16 : i32
      %add3A_729 = arith.addi %mul3A_706, %add3A_728 : i32
      %swap3A_730 = arith.index_cast %select_n3A_688 : i32 to index
      %swap3A_731 = arith.index_cast %add3A_729 : i32 to index
      %swap3A_732 = tpu.vector_load %arg7[%swap3A_730, %swap3A_731] {strides = array<i32>} : memref<256x128xf32, #tpu.memory_space<vmem>>, vector<16xf32>,
      tpu.vector_store %arg7[%swap3A_730, %swap3A_731], %gather3A_727 {strides = array<i32>} : memref<256x128xf32, #tpu.memory_space<vmem>>, vector<16xf32>,
      %gather3A_733 = arith.constant 3 : i32
      %gather3A_734 = arith.constant 1 : i32
      %gather3A_735 = arith.constant 0 : i32
      %gather3A_736 = arith.constant 0 : i32
      %gather3A_737 = arith.constant 0 : i32
      %gather3A_738 = tpu.memref_slice %arg6[%gather3A_733, %gather3A_734, %gather3A_735, %gather3A_736, %gather3A_737] : memref<8x2x2x16x128xf32, #tpu.memory_space<vmem>> -> memref<1x1x1x16x128xf32, #tpu.memory_space<vmem>>
      %gather3A_739 = tpu.memref_squeeze %gather3A_738 : memref<1x1x1x16x128xf32, #tpu.memory_space<vmem>> -> memref<16x128xf32, #tpu.memory_space<vmem>>
      %gather3A_740 = tpu.vector_load_idx %gather3A_739[%iota3A, %broadcast_in_dim3A_664] : memref<16x128xf32, #tpu.memory_space<vmem>>[vector<16xi32>, vector<16xi32>], vector<16xf32>,
      %add3A_741 = arith.constant 32 : i32
      %add3A_742 = arith.addi %mul3A_706, %add3A_741 : i32
      %swap3A_743 = arith.index_cast %select_n3A_688 : i32 to index
      %swap3A_744 = arith.index_cast %add3A_742 : i32 to index
      %swap3A_745 = tpu.vector_load %arg7[%swap3A_743, %swap3A_744] {strides = array<i32>} : memref<256x128xf32, #tpu.memory_space<vmem>>, vector<16xf32>,
      tpu.vector_store %arg7[%swap3A_743, %swap3A_744], %gather3A_740 {strides = array<i32>} : memref<256x128xf32, #tpu.memory_space<vmem>>, vector<16xf32>,
      %gather3A_746 = arith.constant 3 : i32
      %gather3A_747 = arith.constant 1 : i32
      %gather3A_748 = arith.constant 1 : i32
      %gather3A_749 = arith.constant 0 : i32
      %gather3A_750 = arith.constant 0 : i32
      %gather3A_751 = tpu.memref_slice %arg6[%gather3A_746, %gather3A_747, %gather3A_748, %gather3A_749, %gather3A_750] : memref<8x2x2x16x128xf32, #tpu.memory_space<vmem>> -> memref<1x1x1x16x128xf32, #tpu.memory_space<vmem>>
      %gather3A_752 = tpu.memref_squeeze %gather3A_751 : memref<1x1x1x16x128xf32, #tpu.memory_space<vmem>> -> memref<16x128xf32, #tpu.memory_space<vmem>>
      %gather3A_753 = tpu.vector_load_idx %gather3A_752[%iota3A, %broadcast_in_dim3A_664] : memref<16x128xf32, #tpu.memory_space<vmem>>[vector<16xi32>, vector<16xi32>], vector<16xf32>,
      %add3A_754 = arith.constant 48 : i32
      %add3A_755 = arith.addi %mul3A_706, %add3A_754 : i32
      %swap3A_756 = arith.index_cast %select_n3A_688 : i32 to index
      %swap3A_757 = arith.index_cast %add3A_755 : i32 to index
      %swap3A_758 = tpu.vector_load %arg7[%swap3A_756, %swap3A_757] {strides = array<i32>} : memref<256x128xf32, #tpu.memory_space<vmem>>, vector<16xf32>,
      tpu.vector_store %arg7[%swap3A_756, %swap3A_757], %gather3A_753 {strides = array<i32>} : memref<256x128xf32, #tpu.memory_space<vmem>>, vector<16xf32>,
      %add3A_759 = arith.constant 1 : i32
      %add3A_760 = arith.addi %scan3A_241, %add3A_759 : i32
      %lt3A_761 = arith.constant 64 : i32
      %lt3A_762 = arith.cmpi slt, %add3A_760, %lt3A_761 : i32
      %convert_element_type3A_763 = arith.extui %lt3A_762 : i1 to i32
      %cond3A_764 = arith.constant 0 : i32
      %cond3A_765 = arith.cmpi ne, %convert_element_type3A_763, %cond3A_764 : i32
      scf.if %cond3A_765 {
        %add3A_1306 = arith.constant 8 : i32
        %add3A_1307 = arith.addi %add3A_634, %add3A_1306 : i32
        %get3A_1308 = arith.index_cast %add3A_1307 : i32 to index
        %get3A_1309 = tpu.vector_load %arg5[%get3A_1308] {strides = array<i32>} : memref<528xi32, #tpu.memory_space<vmem>>, vector<16xi32>,
        %slice3A_1310 = vector.extract_strided_slice %get3A_1309 {offsets = [0], sizes = [1], strides = [1]} : vector<16xi32> to vector<1xi32>
        %squeeze3A_1311 = vector.extract %slice3A_1310[0] : i32 from vector<1xi32>
        %shift_right_arithmetic3A_1312 = arith.constant 7 : i32
        %shift_right_arithmetic3A_1313 = arith.shrsi %squeeze3A_1311, %shift_right_arithmetic3A_1312 : i32
        %shift_left3A_1314 = arith.constant 7 : i32
        %shift_left3A_1315 = arith.shli %shift_right_arithmetic3A_1313, %shift_left3A_1314 : i32
        %multiple_of3A_1316 = tpu.assume_multiple %shift_left3A_1315, 128 : i32
        %dma_start3A_1317 = arith.constant 3 : i32
        %dma_start3A_1318 = arith.constant 0 : i32
        %dma_start3A_1319 = arith.constant 0 : i32
        %dma_start3A_1320 = arith.constant 0 : i32
        %dma_start3A_1321 = arith.constant 0 : i32
        %dma_start3A_1322 = tpu.memref_slice %arg6[%dma_start3A_1317, %dma_start3A_1318, %dma_start3A_1319, %dma_start3A_1320, %dma_start3A_1321] : memref<8x2x2x16x128xf32, #tpu.memory_space<vmem>> -> memref<1x2x2x16x128xf32, #tpu.memory_space<vmem>>
        %dma_start3A_1323 = tpu.memref_squeeze %dma_start3A_1322 : memref<1x2x2x16x128xf32, #tpu.memory_space<vmem>> -> memref<2x2x16x128xf32, #tpu.memory_space<vmem>>
        %dma_start3A_1324 = arith.constant 0 : i32
        %dma_start3A_1325 = arith.constant 0 : i32
        %dma_start3A_1326 = arith.constant 0 : i32
        %dma_start3A_1327 = tpu.memref_slice %arg3[%dma_start3A_1324, %dma_start3A_1325, %dma_start3A_1326, %multiple_of3A_1316] : memref<2x2x16x1000000xf32, #tpu.memory_space<hbm>> -> memref<2x2x16x128xf32, #tpu.memory_space<hbm>>
        %dma_start3A_1328 = arith.constant 0 : i32
        %dma_start3A_1329 = arith.constant 0 : i32
        %dma_start3A_1330 = arith.constant 0 : i32
        %dma_start3A_1331 = arith.constant 0 : i32
        %dma_start3A_1332 = tpu.memref_slice %arg6[%dma_start3A_1317, %dma_start3A_1328, %dma_start3A_1329, %dma_start3A_1330, %dma_start3A_1331] : memref<8x2x2x16x128xf32, #tpu.memory_space<vmem>> -> memref<1x2x2x16x128xf32, #tpu.memory_space<vmem>>
        %dma_start3A_1333 = tpu.memref_squeeze %dma_start3A_1332 : memref<1x2x2x16x128xf32, #tpu.memory_space<vmem>> -> memref<2x2x16x128xf32, #tpu.memory_space<vmem>>
        %dma_start3A_1334 = arith.constant 0 : i32
        %dma_start3A_1335 = arith.constant 0 : i32
        %dma_start3A_1336 = arith.constant 0 : i32
        %dma_start3A_1337 = tpu.memref_slice %arg3[%dma_start3A_1334, %dma_start3A_1335, %dma_start3A_1336, %multiple_of3A_1316] : memref<2x2x16x1000000xf32, #tpu.memory_space<hbm>> -> memref<2x2x16x128xf32, #tpu.memory_space<hbm>>
        tpu.enqueue_dma source(%dma_start3A_1337 : memref<2x2x16x128xf32, #tpu.memory_space<hbm>>) target(%dma_start3A_1333 : memref<2x2x16x128xf32, #tpu.memory_space<vmem>>) target_semaphore(%arg8 : memref<!tpu.dma_semaphore, #tpu.memory_space<semaphore_mem>>)
      } else {
      }
      %mul3A_766 = arith.constant 8 : i32
      %mul3A_767 = arith.muli %scan3A_241, %mul3A_766 : i32
      %add3A_768 = arith.constant 4 : i32
      %add3A_769 = arith.addi %mul3A_767, %add3A_768 : i32
      %dma_wait3A_770 = arith.constant 4 : i32
      %dma_wait3A_771 = arith.constant 0 : i32
      %dma_wait3A_772 = arith.constant 0 : i32
      %dma_wait3A_773 = arith.constant 0 : i32
      %dma_wait3A_774 = arith.constant 0 : i32
      %dma_wait3A_775 = tpu.memref_slice %arg6[%dma_wait3A_770, %dma_wait3A_771, %dma_wait3A_772, %dma_wait3A_773, %dma_wait3A_774] : memref<8x2x2x16x128xf32, #tpu.memory_space<vmem>> -> memref<1x2x2x16x128xf32, #tpu.memory_space<vmem>>
      %dma_wait3A_776 = tpu.memref_squeeze %dma_wait3A_775 : memref<1x2x2x16x128xf32, #tpu.memory_space<vmem>> -> memref<2x2x16x128xf32, #tpu.memory_space<vmem>>
      %dma_wait3A_777 = arith.constant 0 : i32
      %dma_wait3A_778 = arith.constant 0 : i32
      %dma_wait3A_779 = arith.constant 0 : i32
      %dma_wait3A_780 = arith.constant 0 : i32
      %dma_wait3A_781 = tpu.memref_slice %arg3[%dma_wait3A_777, %dma_wait3A_778, %dma_wait3A_779, %dma_wait3A_780] : memref<2x2x16x1000000xf32, #tpu.memory_space<hbm>> -> memref<2x2x16x128xf32, #tpu.memory_space<hbm>>
      %dma_wait3A_782 = arith.constant 0 : i32
      %dma_wait3A_783 = arith.constant 0 : i32
      %dma_wait3A_784 = arith.constant 0 : i32
      %dma_wait3A_785 = arith.constant 0 : i32
      %dma_wait3A_786 = tpu.memref_slice %arg6[%dma_wait3A_770, %dma_wait3A_782, %dma_wait3A_783, %dma_wait3A_784, %dma_wait3A_785] : memref<8x2x2x16x128xf32, #tpu.memory_space<vmem>> -> memref<1x2x2x16x128xf32, #tpu.memory_space<vmem>>
      %dma_wait3A_787 = tpu.memref_squeeze %dma_wait3A_786 : memref<1x2x2x16x128xf32, #tpu.memory_space<vmem>> -> memref<2x2x16x128xf32, #tpu.memory_space<vmem>>
      %dma_wait3A_788 = arith.constant 0 : i32
      %dma_wait3A_789 = arith.constant 0 : i32
      %dma_wait3A_790 = arith.constant 0 : i32
      %dma_wait3A_791 = arith.constant 0 : i32
      %dma_wait3A_792 = tpu.memref_slice %arg3[%dma_wait3A_788, %dma_wait3A_789, %dma_wait3A_790, %dma_wait3A_791] : memref<2x2x16x1000000xf32, #tpu.memory_space<hbm>> -> memref<2x2x16x128xf32, #tpu.memory_space<hbm>>
      tpu.wait_dma2 semaphore(%arg8 : memref<!tpu.dma_semaphore, #tpu.memory_space<semaphore_mem>>) src(%dma_wait3A_792 : memref<2x2x16x128xf32, #tpu.memory_space<hbm>>) dst(%dma_wait3A_787 : memref<2x2x16x128xf32, #tpu.memory_space<vmem>>)
      %get3A_793 = arith.index_cast %add3A_769 : i32 to index
      %get3A_794 = tpu.vector_load %arg5[%get3A_793] {strides = array<i32>} : memref<528xi32, #tpu.memory_space<vmem>>, vector<16xi32>,
      %slice3A_795 = vector.extract_strided_slice %get3A_794 {offsets = [0], sizes = [1], strides = [1]} : vector<16xi32> to vector<1xi32>
      %squeeze3A_796 = vector.extract %slice3A_795[0] : i32 from vector<1xi32>
      %and3A_797 = arith.constant 127 : i32
      %and3A_798 = arith.andi %squeeze3A_796, %and3A_797 : i32
      %broadcast_in_dim3A_799 = vector.broadcast %and3A_798 : i32 to vector<16xi32>
      %jit3A_800 = arith.constant 2 : i32
      %div3A_801 = arith.divsi %add3A_769, %jit3A_800 : i32
      %sign3A_802 = arith.constant 0 : i32
      %sign3A_803 = arith.cmpi sgt, %add3A_769, %sign3A_802 : i32
      %sign3A_804 = arith.extui %sign3A_803 : i1 to i32
      %sign3A_805 = arith.constant 0 : i32
      %sign3A_806 = arith.cmpi slt, %add3A_769, %sign3A_805 : i32
      %sign3A_807 = arith.extui %sign3A_806 : i1 to i32
      %sign3A_808 = arith.subi %sign3A_804, %sign3A_807 : i32
      %sign3A_809 = arith.constant 0 : i32
      %sign3A_810 = arith.cmpi sgt, %jit3A_800, %sign3A_809 : i32
      %sign3A_811 = arith.extui %sign3A_810 : i1 to i32
      %sign3A_812 = arith.constant 0 : i32
      %sign3A_813 = arith.cmpi slt, %jit3A_800, %sign3A_812 : i32
      %sign3A_814 = arith.extui %sign3A_813 : i1 to i32
      %sign3A_815 = arith.subi %sign3A_811, %sign3A_814 : i32
      %ne3A_816 = arith.cmpi ne, %sign3A_808, %sign3A_815 : i32
      %rem3A_817 = arith.remsi %add3A_769, %jit3A_800 : i32
      %ne3A_818 = arith.constant 0 : i32
      %ne3A_819 = arith.cmpi ne, %rem3A_817, %ne3A_818 : i32
      %and3A_820 = arith.andi %ne3A_816, %ne3A_819 : i1
      %sub3A_821 = arith.constant 1 : i32
      %sub3A_822 = arith.subi %div3A_801, %sub3A_821 : i32
      %select_n3A_823 = arith.select %and3A_820, %sub3A_822, %div3A_801 : i32
      %jit3A_824 = arith.constant 2 : i32
      %eq3A_825 = arith.constant 0 : i32
      %eq3A_826 = arith.cmpi eq, %jit3A_824, %eq3A_825 : i32
      %jit3A_827 = arith.constant 1 : i32
      %select_n3A_828 = arith.select %eq3A_826, %jit3A_827, %jit3A_824 : i32
      %rem3A_829 = arith.remsi %add3A_769, %select_n3A_828 : i32
      %ne3A_830 = arith.constant 0 : i32
      %ne3A_831 = arith.cmpi ne, %rem3A_829, %ne3A_830 : i32
      %lt3A_832 = arith.constant 0 : i32
      %lt3A_833 = arith.cmpi slt, %rem3A_829, %lt3A_832 : i32
      %lt3A_834 = arith.constant 0 : i32
      %lt3A_835 = arith.cmpi slt, %select_n3A_828, %lt3A_834 : i32
      %ne3A_836 = arith.xori %lt3A_833, %lt3A_835 : i1
      %and3A_837 = arith.andi %ne3A_836, %ne3A_831 : i1
      %add3A_838 = arith.addi %rem3A_829, %select_n3A_828 : i32
      %select_n3A_839 = arith.select %and3A_837, %add3A_838, %rem3A_829 : i32
      %mul3A_840 = arith.constant 64 : i32
      %mul3A_841 = arith.muli %select_n3A_839, %mul3A_840 : i32
      %gather3A_842 = arith.constant 4 : i32
      %gather3A_843 = arith.constant 0 : i32
      %gather3A_844 = arith.constant 0 : i32
      %gather3A_845 = arith.constant 0 : i32
      %gather3A_846 = arith.constant 0 : i32
      %gather3A_847 = tpu.memref_slice %arg6[%gather3A_842, %gather3A_843, %gather3A_844, %gather3A_845, %gather3A_846] : memref<8x2x2x16x128xf32, #tpu.memory_space<vmem>> -> memref<1x1x1x16x128xf32, #tpu.memory_space<vmem>>
      %gather3A_848 = tpu.memref_squeeze %gather3A_847 : memref<1x1x1x16x128xf32, #tpu.memory_space<vmem>> -> memref<16x128xf32, #tpu.memory_space<vmem>>
      %gather3A_849 = tpu.vector_load_idx %gather3A_848[%iota3A, %broadcast_in_dim3A_799] : memref<16x128xf32, #tpu.memory_space<vmem>>[vector<16xi32>, vector<16xi32>], vector<16xf32>,
      %add3A_850 = arith.constant 0 : i32
      %add3A_851 = arith.addi %mul3A_841, %add3A_850 : i32
      %swap3A_852 = arith.index_cast %select_n3A_823 : i32 to index
      %swap3A_853 = arith.index_cast %add3A_851 : i32 to index
      %swap3A_854 = tpu.vector_load %arg7[%swap3A_852, %swap3A_853] {strides = array<i32>} : memref<256x128xf32, #tpu.memory_space<vmem>>, vector<16xf32>,
      tpu.vector_store %arg7[%swap3A_852, %swap3A_853], %gather3A_849 {strides = array<i32>} : memref<256x128xf32, #tpu.memory_space<vmem>>, vector<16xf32>,
      %gather3A_855 = arith.constant 4 : i32
      %gather3A_856 = arith.constant 0 : i32
      %gather3A_857 = arith.constant 1 : i32
      %gather3A_858 = arith.constant 0 : i32
      %gather3A_859 = arith.constant 0 : i32
      %gather3A_860 = tpu.memref_slice %arg6[%gather3A_855, %gather3A_856, %gather3A_857, %gather3A_858, %gather3A_859] : memref<8x2x2x16x128xf32, #tpu.memory_space<vmem>> -> memref<1x1x1x16x128xf32, #tpu.memory_space<vmem>>
      %gather3A_861 = tpu.memref_squeeze %gather3A_860 : memref<1x1x1x16x128xf32, #tpu.memory_space<vmem>> -> memref<16x128xf32, #tpu.memory_space<vmem>>
      %gather3A_862 = tpu.vector_load_idx %gather3A_861[%iota3A, %broadcast_in_dim3A_799] : memref<16x128xf32, #tpu.memory_space<vmem>>[vector<16xi32>, vector<16xi32>], vector<16xf32>,
      %add3A_863 = arith.constant 16 : i32
      %add3A_864 = arith.addi %mul3A_841, %add3A_863 : i32
      %swap3A_865 = arith.index_cast %select_n3A_823 : i32 to index
      %swap3A_866 = arith.index_cast %add3A_864 : i32 to index
      %swap3A_867 = tpu.vector_load %arg7[%swap3A_865, %swap3A_866] {strides = array<i32>} : memref<256x128xf32, #tpu.memory_space<vmem>>, vector<16xf32>,
      tpu.vector_store %arg7[%swap3A_865, %swap3A_866], %gather3A_862 {strides = array<i32>} : memref<256x128xf32, #tpu.memory_space<vmem>>, vector<16xf32>,
      %gather3A_868 = arith.constant 4 : i32
      %gather3A_869 = arith.constant 1 : i32
      %gather3A_870 = arith.constant 0 : i32
      %gather3A_871 = arith.constant 0 : i32
      %gather3A_872 = arith.constant 0 : i32
      %gather3A_873 = tpu.memref_slice %arg6[%gather3A_868, %gather3A_869, %gather3A_870, %gather3A_871, %gather3A_872] : memref<8x2x2x16x128xf32, #tpu.memory_space<vmem>> -> memref<1x1x1x16x128xf32, #tpu.memory_space<vmem>>
      %gather3A_874 = tpu.memref_squeeze %gather3A_873 : memref<1x1x1x16x128xf32, #tpu.memory_space<vmem>> -> memref<16x128xf32, #tpu.memory_space<vmem>>
      %gather3A_875 = tpu.vector_load_idx %gather3A_874[%iota3A, %broadcast_in_dim3A_799] : memref<16x128xf32, #tpu.memory_space<vmem>>[vector<16xi32>, vector<16xi32>], vector<16xf32>,
      %add3A_876 = arith.constant 32 : i32
      %add3A_877 = arith.addi %mul3A_841, %add3A_876 : i32
      %swap3A_878 = arith.index_cast %select_n3A_823 : i32 to index
      %swap3A_879 = arith.index_cast %add3A_877 : i32 to index
      %swap3A_880 = tpu.vector_load %arg7[%swap3A_878, %swap3A_879] {strides = array<i32>} : memref<256x128xf32, #tpu.memory_space<vmem>>, vector<16xf32>,
      tpu.vector_store %arg7[%swap3A_878, %swap3A_879], %gather3A_875 {strides = array<i32>} : memref<256x128xf32, #tpu.memory_space<vmem>>, vector<16xf32>,
      %gather3A_881 = arith.constant 4 : i32
      %gather3A_882 = arith.constant 1 : i32
      %gather3A_883 = arith.constant 1 : i32
      %gather3A_884 = arith.constant 0 : i32
      %gather3A_885 = arith.constant 0 : i32
      %gather3A_886 = tpu.memref_slice %arg6[%gather3A_881, %gather3A_882, %gather3A_883, %gather3A_884, %gather3A_885] : memref<8x2x2x16x128xf32, #tpu.memory_space<vmem>> -> memref<1x1x1x16x128xf32, #tpu.memory_space<vmem>>
      %gather3A_887 = tpu.memref_squeeze %gather3A_886 : memref<1x1x1x16x128xf32, #tpu.memory_space<vmem>> -> memref<16x128xf32, #tpu.memory_space<vmem>>
      %gather3A_888 = tpu.vector_load_idx %gather3A_887[%iota3A, %broadcast_in_dim3A_799] : memref<16x128xf32, #tpu.memory_space<vmem>>[vector<16xi32>, vector<16xi32>], vector<16xf32>,
      %add3A_889 = arith.constant 48 : i32
      %add3A_890 = arith.addi %mul3A_841, %add3A_889 : i32
      %swap3A_891 = arith.index_cast %select_n3A_823 : i32 to index
      %swap3A_892 = arith.index_cast %add3A_890 : i32 to index
      %swap3A_893 = tpu.vector_load %arg7[%swap3A_891, %swap3A_892] {strides = array<i32>} : memref<256x128xf32, #tpu.memory_space<vmem>>, vector<16xf32>,
      tpu.vector_store %arg7[%swap3A_891, %swap3A_892], %gather3A_888 {strides = array<i32>} : memref<256x128xf32, #tpu.memory_space<vmem>>, vector<16xf32>,
      %add3A_894 = arith.constant 1 : i32
      %add3A_895 = arith.addi %scan3A_241, %add3A_894 : i32
      %lt3A_896 = arith.constant 64 : i32
      %lt3A_897 = arith.cmpi slt, %add3A_895, %lt3A_896 : i32
      %convert_element_type3A_898 = arith.extui %lt3A_897 : i1 to i32
      %cond3A_899 = arith.constant 0 : i32
      %cond3A_900 = arith.cmpi ne, %convert_element_type3A_898, %cond3A_899 : i32
      scf.if %cond3A_900 {
        %add3A_1306 = arith.constant 8 : i32
        %add3A_1307 = arith.addi %add3A_769, %add3A_1306 : i32
        %get3A_1308 = arith.index_cast %add3A_1307 : i32 to index
        %get3A_1309 = tpu.vector_load %arg5[%get3A_1308] {strides = array<i32>} : memref<528xi32, #tpu.memory_space<vmem>>, vector<16xi32>,
        %slice3A_1310 = vector.extract_strided_slice %get3A_1309 {offsets = [0], sizes = [1], strides = [1]} : vector<16xi32> to vector<1xi32>
        %squeeze3A_1311 = vector.extract %slice3A_1310[0] : i32 from vector<1xi32>
        %shift_right_arithmetic3A_1312 = arith.constant 7 : i32
        %shift_right_arithmetic3A_1313 = arith.shrsi %squeeze3A_1311, %shift_right_arithmetic3A_1312 : i32
        %shift_left3A_1314 = arith.constant 7 : i32
        %shift_left3A_1315 = arith.shli %shift_right_arithmetic3A_1313, %shift_left3A_1314 : i32
        %multiple_of3A_1316 = tpu.assume_multiple %shift_left3A_1315, 128 : i32
        %dma_start3A_1317 = arith.constant 4 : i32
        %dma_start3A_1318 = arith.constant 0 : i32
        %dma_start3A_1319 = arith.constant 0 : i32
        %dma_start3A_1320 = arith.constant 0 : i32
        %dma_start3A_1321 = arith.constant 0 : i32
        %dma_start3A_1322 = tpu.memref_slice %arg6[%dma_start3A_1317, %dma_start3A_1318, %dma_start3A_1319, %dma_start3A_1320, %dma_start3A_1321] : memref<8x2x2x16x128xf32, #tpu.memory_space<vmem>> -> memref<1x2x2x16x128xf32, #tpu.memory_space<vmem>>
        %dma_start3A_1323 = tpu.memref_squeeze %dma_start3A_1322 : memref<1x2x2x16x128xf32, #tpu.memory_space<vmem>> -> memref<2x2x16x128xf32, #tpu.memory_space<vmem>>
        %dma_start3A_1324 = arith.constant 0 : i32
        %dma_start3A_1325 = arith.constant 0 : i32
        %dma_start3A_1326 = arith.constant 0 : i32
        %dma_start3A_1327 = tpu.memref_slice %arg3[%dma_start3A_1324, %dma_start3A_1325, %dma_start3A_1326, %multiple_of3A_1316] : memref<2x2x16x1000000xf32, #tpu.memory_space<hbm>> -> memref<2x2x16x128xf32, #tpu.memory_space<hbm>>
        %dma_start3A_1328 = arith.constant 0 : i32
        %dma_start3A_1329 = arith.constant 0 : i32
        %dma_start3A_1330 = arith.constant 0 : i32
        %dma_start3A_1331 = arith.constant 0 : i32
        %dma_start3A_1332 = tpu.memref_slice %arg6[%dma_start3A_1317, %dma_start3A_1328, %dma_start3A_1329, %dma_start3A_1330, %dma_start3A_1331] : memref<8x2x2x16x128xf32, #tpu.memory_space<vmem>> -> memref<1x2x2x16x128xf32, #tpu.memory_space<vmem>>
        %dma_start3A_1333 = tpu.memref_squeeze %dma_start3A_1332 : memref<1x2x2x16x128xf32, #tpu.memory_space<vmem>> -> memref<2x2x16x128xf32, #tpu.memory_space<vmem>>
        %dma_start3A_1334 = arith.constant 0 : i32
        %dma_start3A_1335 = arith.constant 0 : i32
        %dma_start3A_1336 = arith.constant 0 : i32
        %dma_start3A_1337 = tpu.memref_slice %arg3[%dma_start3A_1334, %dma_start3A_1335, %dma_start3A_1336, %multiple_of3A_1316] : memref<2x2x16x1000000xf32, #tpu.memory_space<hbm>> -> memref<2x2x16x128xf32, #tpu.memory_space<hbm>>
        tpu.enqueue_dma source(%dma_start3A_1337 : memref<2x2x16x128xf32, #tpu.memory_space<hbm>>) target(%dma_start3A_1333 : memref<2x2x16x128xf32, #tpu.memory_space<vmem>>) target_semaphore(%arg8 : memref<!tpu.dma_semaphore, #tpu.memory_space<semaphore_mem>>)
      } else {
      }
      %mul3A_901 = arith.constant 8 : i32
      %mul3A_902 = arith.muli %scan3A_241, %mul3A_901 : i32
      %add3A_903 = arith.constant 5 : i32
      %add3A_904 = arith.addi %mul3A_902, %add3A_903 : i32
      %dma_wait3A_905 = arith.constant 5 : i32
      %dma_wait3A_906 = arith.constant 0 : i32
      %dma_wait3A_907 = arith.constant 0 : i32
      %dma_wait3A_908 = arith.constant 0 : i32
      %dma_wait3A_909 = arith.constant 0 : i32
      %dma_wait3A_910 = tpu.memref_slice %arg6[%dma_wait3A_905, %dma_wait3A_906, %dma_wait3A_907, %dma_wait3A_908, %dma_wait3A_909] : memref<8x2x2x16x128xf32, #tpu.memory_space<vmem>> -> memref<1x2x2x16x128xf32, #tpu.memory_space<vmem>>
      %dma_wait3A_911 = tpu.memref_squeeze %dma_wait3A_910 : memref<1x2x2x16x128xf32, #tpu.memory_space<vmem>> -> memref<2x2x16x128xf32, #tpu.memory_space<vmem>>
      %dma_wait3A_912 = arith.constant 0 : i32
      %dma_wait3A_913 = arith.constant 0 : i32
      %dma_wait3A_914 = arith.constant 0 : i32
      %dma_wait3A_915 = arith.constant 0 : i32
      %dma_wait3A_916 = tpu.memref_slice %arg3[%dma_wait3A_912, %dma_wait3A_913, %dma_wait3A_914, %dma_wait3A_915] : memref<2x2x16x1000000xf32, #tpu.memory_space<hbm>> -> memref<2x2x16x128xf32, #tpu.memory_space<hbm>>
      %dma_wait3A_917 = arith.constant 0 : i32
      %dma_wait3A_918 = arith.constant 0 : i32
      %dma_wait3A_919 = arith.constant 0 : i32
      %dma_wait3A_920 = arith.constant 0 : i32
      %dma_wait3A_921 = tpu.memref_slice %arg6[%dma_wait3A_905, %dma_wait3A_917, %dma_wait3A_918, %dma_wait3A_919, %dma_wait3A_920] : memref<8x2x2x16x128xf32, #tpu.memory_space<vmem>> -> memref<1x2x2x16x128xf32, #tpu.memory_space<vmem>>
      %dma_wait3A_922 = tpu.memref_squeeze %dma_wait3A_921 : memref<1x2x2x16x128xf32, #tpu.memory_space<vmem>> -> memref<2x2x16x128xf32, #tpu.memory_space<vmem>>
      %dma_wait3A_923 = arith.constant 0 : i32
      %dma_wait3A_924 = arith.constant 0 : i32
      %dma_wait3A_925 = arith.constant 0 : i32
      %dma_wait3A_926 = arith.constant 0 : i32
      %dma_wait3A_927 = tpu.memref_slice %arg3[%dma_wait3A_923, %dma_wait3A_924, %dma_wait3A_925, %dma_wait3A_926] : memref<2x2x16x1000000xf32, #tpu.memory_space<hbm>> -> memref<2x2x16x128xf32, #tpu.memory_space<hbm>>
      tpu.wait_dma2 semaphore(%arg8 : memref<!tpu.dma_semaphore, #tpu.memory_space<semaphore_mem>>) src(%dma_wait3A_927 : memref<2x2x16x128xf32, #tpu.memory_space<hbm>>) dst(%dma_wait3A_922 : memref<2x2x16x128xf32, #tpu.memory_space<vmem>>)
      %get3A_928 = arith.index_cast %add3A_904 : i32 to index
      %get3A_929 = tpu.vector_load %arg5[%get3A_928] {strides = array<i32>} : memref<528xi32, #tpu.memory_space<vmem>>, vector<16xi32>,
      %slice3A_930 = vector.extract_strided_slice %get3A_929 {offsets = [0], sizes = [1], strides = [1]} : vector<16xi32> to vector<1xi32>
      %squeeze3A_931 = vector.extract %slice3A_930[0] : i32 from vector<1xi32>
      %and3A_932 = arith.constant 127 : i32
      %and3A_933 = arith.andi %squeeze3A_931, %and3A_932 : i32
      %broadcast_in_dim3A_934 = vector.broadcast %and3A_933 : i32 to vector<16xi32>
      %jit3A_935 = arith.constant 2 : i32
      %div3A_936 = arith.divsi %add3A_904, %jit3A_935 : i32
      %sign3A_937 = arith.constant 0 : i32
      %sign3A_938 = arith.cmpi sgt, %add3A_904, %sign3A_937 : i32
      %sign3A_939 = arith.extui %sign3A_938 : i1 to i32
      %sign3A_940 = arith.constant 0 : i32
      %sign3A_941 = arith.cmpi slt, %add3A_904, %sign3A_940 : i32
      %sign3A_942 = arith.extui %sign3A_941 : i1 to i32
      %sign3A_943 = arith.subi %sign3A_939, %sign3A_942 : i32
      %sign3A_944 = arith.constant 0 : i32
      %sign3A_945 = arith.cmpi sgt, %jit3A_935, %sign3A_944 : i32
      %sign3A_946 = arith.extui %sign3A_945 : i1 to i32
      %sign3A_947 = arith.constant 0 : i32
      %sign3A_948 = arith.cmpi slt, %jit3A_935, %sign3A_947 : i32
      %sign3A_949 = arith.extui %sign3A_948 : i1 to i32
      %sign3A_950 = arith.subi %sign3A_946, %sign3A_949 : i32
      %ne3A_951 = arith.cmpi ne, %sign3A_943, %sign3A_950 : i32
      %rem3A_952 = arith.remsi %add3A_904, %jit3A_935 : i32
      %ne3A_953 = arith.constant 0 : i32
      %ne3A_954 = arith.cmpi ne, %rem3A_952, %ne3A_953 : i32
      %and3A_955 = arith.andi %ne3A_951, %ne3A_954 : i1
      %sub3A_956 = arith.constant 1 : i32
      %sub3A_957 = arith.subi %div3A_936, %sub3A_956 : i32
      %select_n3A_958 = arith.select %and3A_955, %sub3A_957, %div3A_936 : i32
      %jit3A_959 = arith.constant 2 : i32
      %eq3A_960 = arith.constant 0 : i32
      %eq3A_961 = arith.cmpi eq, %jit3A_959, %eq3A_960 : i32
      %jit3A_962 = arith.constant 1 : i32
      %select_n3A_963 = arith.select %eq3A_961, %jit3A_962, %jit3A_959 : i32
      %rem3A_964 = arith.remsi %add3A_904, %select_n3A_963 : i32
      %ne3A_965 = arith.constant 0 : i32
      %ne3A_966 = arith.cmpi ne, %rem3A_964, %ne3A_965 : i32
      %lt3A_967 = arith.constant 0 : i32
      %lt3A_968 = arith.cmpi slt, %rem3A_964, %lt3A_967 : i32
      %lt3A_969 = arith.constant 0 : i32
      %lt3A_970 = arith.cmpi slt, %select_n3A_963, %lt3A_969 : i32
      %ne3A_971 = arith.xori %lt3A_968, %lt3A_970 : i1
      %and3A_972 = arith.andi %ne3A_971, %ne3A_966 : i1
      %add3A_973 = arith.addi %rem3A_964, %select_n3A_963 : i32
      %select_n3A_974 = arith.select %and3A_972, %add3A_973, %rem3A_964 : i32
      %mul3A_975 = arith.constant 64 : i32
      %mul3A_976 = arith.muli %select_n3A_974, %mul3A_975 : i32
      %gather3A_977 = arith.constant 5 : i32
      %gather3A_978 = arith.constant 0 : i32
      %gather3A_979 = arith.constant 0 : i32
      %gather3A_980 = arith.constant 0 : i32
      %gather3A_981 = arith.constant 0 : i32
      %gather3A_982 = tpu.memref_slice %arg6[%gather3A_977, %gather3A_978, %gather3A_979, %gather3A_980, %gather3A_981] : memref<8x2x2x16x128xf32, #tpu.memory_space<vmem>> -> memref<1x1x1x16x128xf32, #tpu.memory_space<vmem>>
      %gather3A_983 = tpu.memref_squeeze %gather3A_982 : memref<1x1x1x16x128xf32, #tpu.memory_space<vmem>> -> memref<16x128xf32, #tpu.memory_space<vmem>>
      %gather3A_984 = tpu.vector_load_idx %gather3A_983[%iota3A, %broadcast_in_dim3A_934] : memref<16x128xf32, #tpu.memory_space<vmem>>[vector<16xi32>, vector<16xi32>], vector<16xf32>,
      %add3A_985 = arith.constant 0 : i32
      %add3A_986 = arith.addi %mul3A_976, %add3A_985 : i32
      %swap3A_987 = arith.index_cast %select_n3A_958 : i32 to index
      %swap3A_988 = arith.index_cast %add3A_986 : i32 to index
      %swap3A_989 = tpu.vector_load %arg7[%swap3A_987, %swap3A_988] {strides = array<i32>} : memref<256x128xf32, #tpu.memory_space<vmem>>, vector<16xf32>,
      tpu.vector_store %arg7[%swap3A_987, %swap3A_988], %gather3A_984 {strides = array<i32>} : memref<256x128xf32, #tpu.memory_space<vmem>>, vector<16xf32>,
      %gather3A_990 = arith.constant 5 : i32
      %gather3A_991 = arith.constant 0 : i32
      %gather3A_992 = arith.constant 1 : i32
      %gather3A_993 = arith.constant 0 : i32
      %gather3A_994 = arith.constant 0 : i32
      %gather3A_995 = tpu.memref_slice %arg6[%gather3A_990, %gather3A_991, %gather3A_992, %gather3A_993, %gather3A_994] : memref<8x2x2x16x128xf32, #tpu.memory_space<vmem>> -> memref<1x1x1x16x128xf32, #tpu.memory_space<vmem>>
      %gather3A_996 = tpu.memref_squeeze %gather3A_995 : memref<1x1x1x16x128xf32, #tpu.memory_space<vmem>> -> memref<16x128xf32, #tpu.memory_space<vmem>>
      %gather3A_997 = tpu.vector_load_idx %gather3A_996[%iota3A, %broadcast_in_dim3A_934] : memref<16x128xf32, #tpu.memory_space<vmem>>[vector<16xi32>, vector<16xi32>], vector<16xf32>,
      %add3A_998 = arith.constant 16 : i32
      %add3A_999 = arith.addi %mul3A_976, %add3A_998 : i32
      %swap3A_1000 = arith.index_cast %select_n3A_958 : i32 to index
      %swap3A_1001 = arith.index_cast %add3A_999 : i32 to index
      %swap3A_1002 = tpu.vector_load %arg7[%swap3A_1000, %swap3A_1001] {strides = array<i32>} : memref<256x128xf32, #tpu.memory_space<vmem>>, vector<16xf32>,
      tpu.vector_store %arg7[%swap3A_1000, %swap3A_1001], %gather3A_997 {strides = array<i32>} : memref<256x128xf32, #tpu.memory_space<vmem>>, vector<16xf32>,
      %gather3A_1003 = arith.constant 5 : i32
      %gather3A_1004 = arith.constant 1 : i32
      %gather3A_1005 = arith.constant 0 : i32
      %gather3A_1006 = arith.constant 0 : i32
      %gather3A_1007 = arith.constant 0 : i32
      %gather3A_1008 = tpu.memref_slice %arg6[%gather3A_1003, %gather3A_1004, %gather3A_1005, %gather3A_1006, %gather3A_1007] : memref<8x2x2x16x128xf32, #tpu.memory_space<vmem>> -> memref<1x1x1x16x128xf32, #tpu.memory_space<vmem>>
      %gather3A_1009 = tpu.memref_squeeze %gather3A_1008 : memref<1x1x1x16x128xf32, #tpu.memory_space<vmem>> -> memref<16x128xf32, #tpu.memory_space<vmem>>
      %gather3A_1010 = tpu.vector_load_idx %gather3A_1009[%iota3A, %broadcast_in_dim3A_934] : memref<16x128xf32, #tpu.memory_space<vmem>>[vector<16xi32>, vector<16xi32>], vector<16xf32>,
      %add3A_1011 = arith.constant 32 : i32
      %add3A_1012 = arith.addi %mul3A_976, %add3A_1011 : i32
      %swap3A_1013 = arith.index_cast %select_n3A_958 : i32 to index
      %swap3A_1014 = arith.index_cast %add3A_1012 : i32 to index
      %swap3A_1015 = tpu.vector_load %arg7[%swap3A_1013, %swap3A_1014] {strides = array<i32>} : memref<256x128xf32, #tpu.memory_space<vmem>>, vector<16xf32>,
      tpu.vector_store %arg7[%swap3A_1013, %swap3A_1014], %gather3A_1010 {strides = array<i32>} : memref<256x128xf32, #tpu.memory_space<vmem>>, vector<16xf32>,
      %gather3A_1016 = arith.constant 5 : i32
      %gather3A_1017 = arith.constant 1 : i32
      %gather3A_1018 = arith.constant 1 : i32
      %gather3A_1019 = arith.constant 0 : i32
      %gather3A_1020 = arith.constant 0 : i32
      %gather3A_1021 = tpu.memref_slice %arg6[%gather3A_1016, %gather3A_1017, %gather3A_1018, %gather3A_1019, %gather3A_1020] : memref<8x2x2x16x128xf32, #tpu.memory_space<vmem>> -> memref<1x1x1x16x128xf32, #tpu.memory_space<vmem>>
      %gather3A_1022 = tpu.memref_squeeze %gather3A_1021 : memref<1x1x1x16x128xf32, #tpu.memory_space<vmem>> -> memref<16x128xf32, #tpu.memory_space<vmem>>
      %gather3A_1023 = tpu.vector_load_idx %gather3A_1022[%iota3A, %broadcast_in_dim3A_934] : memref<16x128xf32, #tpu.memory_space<vmem>>[vector<16xi32>, vector<16xi32>], vector<16xf32>,
      %add3A_1024 = arith.constant 48 : i32
      %add3A_1025 = arith.addi %mul3A_976, %add3A_1024 : i32
      %swap3A_1026 = arith.index_cast %select_n3A_958 : i32 to index
      %swap3A_1027 = arith.index_cast %add3A_1025 : i32 to index
      %swap3A_1028 = tpu.vector_load %arg7[%swap3A_1026, %swap3A_1027] {strides = array<i32>} : memref<256x128xf32, #tpu.memory_space<vmem>>, vector<16xf32>,
      tpu.vector_store %arg7[%swap3A_1026, %swap3A_1027], %gather3A_1023 {strides = array<i32>} : memref<256x128xf32, #tpu.memory_space<vmem>>, vector<16xf32>,
      %add3A_1029 = arith.constant 1 : i32
      %add3A_1030 = arith.addi %scan3A_241, %add3A_1029 : i32
      %lt3A_1031 = arith.constant 64 : i32
      %lt3A_1032 = arith.cmpi slt, %add3A_1030, %lt3A_1031 : i32
      %convert_element_type3A_1033 = arith.extui %lt3A_1032 : i1 to i32
      %cond3A_1034 = arith.constant 0 : i32
      %cond3A_1035 = arith.cmpi ne, %convert_element_type3A_1033, %cond3A_1034 : i32
      scf.if %cond3A_1035 {
        %add3A_1306 = arith.constant 8 : i32
        %add3A_1307 = arith.addi %add3A_904, %add3A_1306 : i32
        %get3A_1308 = arith.index_cast %add3A_1307 : i32 to index
        %get3A_1309 = tpu.vector_load %arg5[%get3A_1308] {strides = array<i32>} : memref<528xi32, #tpu.memory_space<vmem>>, vector<16xi32>,
        %slice3A_1310 = vector.extract_strided_slice %get3A_1309 {offsets = [0], sizes = [1], strides = [1]} : vector<16xi32> to vector<1xi32>
        %squeeze3A_1311 = vector.extract %slice3A_1310[0] : i32 from vector<1xi32>
        %shift_right_arithmetic3A_1312 = arith.constant 7 : i32
        %shift_right_arithmetic3A_1313 = arith.shrsi %squeeze3A_1311, %shift_right_arithmetic3A_1312 : i32
        %shift_left3A_1314 = arith.constant 7 : i32
        %shift_left3A_1315 = arith.shli %shift_right_arithmetic3A_1313, %shift_left3A_1314 : i32
        %multiple_of3A_1316 = tpu.assume_multiple %shift_left3A_1315, 128 : i32
        %dma_start3A_1317 = arith.constant 5 : i32
        %dma_start3A_1318 = arith.constant 0 : i32
        %dma_start3A_1319 = arith.constant 0 : i32
        %dma_start3A_1320 = arith.constant 0 : i32
        %dma_start3A_1321 = arith.constant 0 : i32
        %dma_start3A_1322 = tpu.memref_slice %arg6[%dma_start3A_1317, %dma_start3A_1318, %dma_start3A_1319, %dma_start3A_1320, %dma_start3A_1321] : memref<8x2x2x16x128xf32, #tpu.memory_space<vmem>> -> memref<1x2x2x16x128xf32, #tpu.memory_space<vmem>>
        %dma_start3A_1323 = tpu.memref_squeeze %dma_start3A_1322 : memref<1x2x2x16x128xf32, #tpu.memory_space<vmem>> -> memref<2x2x16x128xf32, #tpu.memory_space<vmem>>
        %dma_start3A_1324 = arith.constant 0 : i32
        %dma_start3A_1325 = arith.constant 0 : i32
        %dma_start3A_1326 = arith.constant 0 : i32
        %dma_start3A_1327 = tpu.memref_slice %arg3[%dma_start3A_1324, %dma_start3A_1325, %dma_start3A_1326, %multiple_of3A_1316] : memref<2x2x16x1000000xf32, #tpu.memory_space<hbm>> -> memref<2x2x16x128xf32, #tpu.memory_space<hbm>>
        %dma_start3A_1328 = arith.constant 0 : i32
        %dma_start3A_1329 = arith.constant 0 : i32
        %dma_start3A_1330 = arith.constant 0 : i32
        %dma_start3A_1331 = arith.constant 0 : i32
        %dma_start3A_1332 = tpu.memref_slice %arg6[%dma_start3A_1317, %dma_start3A_1328, %dma_start3A_1329, %dma_start3A_1330, %dma_start3A_1331] : memref<8x2x2x16x128xf32, #tpu.memory_space<vmem>> -> memref<1x2x2x16x128xf32, #tpu.memory_space<vmem>>
        %dma_start3A_1333 = tpu.memref_squeeze %dma_start3A_1332 : memref<1x2x2x16x128xf32, #tpu.memory_space<vmem>> -> memref<2x2x16x128xf32, #tpu.memory_space<vmem>>
        %dma_start3A_1334 = arith.constant 0 : i32
        %dma_start3A_1335 = arith.constant 0 : i32
        %dma_start3A_1336 = arith.constant 0 : i32
        %dma_start3A_1337 = tpu.memref_slice %arg3[%dma_start3A_1334, %dma_start3A_1335, %dma_start3A_1336, %multiple_of3A_1316] : memref<2x2x16x1000000xf32, #tpu.memory_space<hbm>> -> memref<2x2x16x128xf32, #tpu.memory_space<hbm>>
        tpu.enqueue_dma source(%dma_start3A_1337 : memref<2x2x16x128xf32, #tpu.memory_space<hbm>>) target(%dma_start3A_1333 : memref<2x2x16x128xf32, #tpu.memory_space<vmem>>) target_semaphore(%arg8 : memref<!tpu.dma_semaphore, #tpu.memory_space<semaphore_mem>>)
      } else {
      }
      %mul3A_1036 = arith.constant 8 : i32
      %mul3A_1037 = arith.muli %scan3A_241, %mul3A_1036 : i32
      %add3A_1038 = arith.constant 6 : i32
      %add3A_1039 = arith.addi %mul3A_1037, %add3A_1038 : i32
      %dma_wait3A_1040 = arith.constant 6 : i32
      %dma_wait3A_1041 = arith.constant 0 : i32
      %dma_wait3A_1042 = arith.constant 0 : i32
      %dma_wait3A_1043 = arith.constant 0 : i32
      %dma_wait3A_1044 = arith.constant 0 : i32
      %dma_wait3A_1045 = tpu.memref_slice %arg6[%dma_wait3A_1040, %dma_wait3A_1041, %dma_wait3A_1042, %dma_wait3A_1043, %dma_wait3A_1044] : memref<8x2x2x16x128xf32, #tpu.memory_space<vmem>> -> memref<1x2x2x16x128xf32, #tpu.memory_space<vmem>>
      %dma_wait3A_1046 = tpu.memref_squeeze %dma_wait3A_1045 : memref<1x2x2x16x128xf32, #tpu.memory_space<vmem>> -> memref<2x2x16x128xf32, #tpu.memory_space<vmem>>
      %dma_wait3A_1047 = arith.constant 0 : i32
      %dma_wait3A_1048 = arith.constant 0 : i32
      %dma_wait3A_1049 = arith.constant 0 : i32
      %dma_wait3A_1050 = arith.constant 0 : i32
      %dma_wait3A_1051 = tpu.memref_slice %arg3[%dma_wait3A_1047, %dma_wait3A_1048, %dma_wait3A_1049, %dma_wait3A_1050] : memref<2x2x16x1000000xf32, #tpu.memory_space<hbm>> -> memref<2x2x16x128xf32, #tpu.memory_space<hbm>>
      %dma_wait3A_1052 = arith.constant 0 : i32
      %dma_wait3A_1053 = arith.constant 0 : i32
      %dma_wait3A_1054 = arith.constant 0 : i32
      %dma_wait3A_1055 = arith.constant 0 : i32
      %dma_wait3A_1056 = tpu.memref_slice %arg6[%dma_wait3A_1040, %dma_wait3A_1052, %dma_wait3A_1053, %dma_wait3A_1054, %dma_wait3A_1055] : memref<8x2x2x16x128xf32, #tpu.memory_space<vmem>> -> memref<1x2x2x16x128xf32, #tpu.memory_space<vmem>>
      %dma_wait3A_1057 = tpu.memref_squeeze %dma_wait3A_1056 : memref<1x2x2x16x128xf32, #tpu.memory_space<vmem>> -> memref<2x2x16x128xf32, #tpu.memory_space<vmem>>
      %dma_wait3A_1058 = arith.constant 0 : i32
      %dma_wait3A_1059 = arith.constant 0 : i32
      %dma_wait3A_1060 = arith.constant 0 : i32
      %dma_wait3A_1061 = arith.constant 0 : i32
      %dma_wait3A_1062 = tpu.memref_slice %arg3[%dma_wait3A_1058, %dma_wait3A_1059, %dma_wait3A_1060, %dma_wait3A_1061] : memref<2x2x16x1000000xf32, #tpu.memory_space<hbm>> -> memref<2x2x16x128xf32, #tpu.memory_space<hbm>>
      tpu.wait_dma2 semaphore(%arg8 : memref<!tpu.dma_semaphore, #tpu.memory_space<semaphore_mem>>) src(%dma_wait3A_1062 : memref<2x2x16x128xf32, #tpu.memory_space<hbm>>) dst(%dma_wait3A_1057 : memref<2x2x16x128xf32, #tpu.memory_space<vmem>>)
      %get3A_1063 = arith.index_cast %add3A_1039 : i32 to index
      %get3A_1064 = tpu.vector_load %arg5[%get3A_1063] {strides = array<i32>} : memref<528xi32, #tpu.memory_space<vmem>>, vector<16xi32>,
      %slice3A_1065 = vector.extract_strided_slice %get3A_1064 {offsets = [0], sizes = [1], strides = [1]} : vector<16xi32> to vector<1xi32>
      %squeeze3A_1066 = vector.extract %slice3A_1065[0] : i32 from vector<1xi32>
      %and3A_1067 = arith.constant 127 : i32
      %and3A_1068 = arith.andi %squeeze3A_1066, %and3A_1067 : i32
      %broadcast_in_dim3A_1069 = vector.broadcast %and3A_1068 : i32 to vector<16xi32>
      %jit3A_1070 = arith.constant 2 : i32
      %div3A_1071 = arith.divsi %add3A_1039, %jit3A_1070 : i32
      %sign3A_1072 = arith.constant 0 : i32
      %sign3A_1073 = arith.cmpi sgt, %add3A_1039, %sign3A_1072 : i32
      %sign3A_1074 = arith.extui %sign3A_1073 : i1 to i32
      %sign3A_1075 = arith.constant 0 : i32
      %sign3A_1076 = arith.cmpi slt, %add3A_1039, %sign3A_1075 : i32
      %sign3A_1077 = arith.extui %sign3A_1076 : i1 to i32
      %sign3A_1078 = arith.subi %sign3A_1074, %sign3A_1077 : i32
      %sign3A_1079 = arith.constant 0 : i32
      %sign3A_1080 = arith.cmpi sgt, %jit3A_1070, %sign3A_1079 : i32
      %sign3A_1081 = arith.extui %sign3A_1080 : i1 to i32
      %sign3A_1082 = arith.constant 0 : i32
      %sign3A_1083 = arith.cmpi slt, %jit3A_1070, %sign3A_1082 : i32
      %sign3A_1084 = arith.extui %sign3A_1083 : i1 to i32
      %sign3A_1085 = arith.subi %sign3A_1081, %sign3A_1084 : i32
      %ne3A_1086 = arith.cmpi ne, %sign3A_1078, %sign3A_1085 : i32
      %rem3A_1087 = arith.remsi %add3A_1039, %jit3A_1070 : i32
      %ne3A_1088 = arith.constant 0 : i32
      %ne3A_1089 = arith.cmpi ne, %rem3A_1087, %ne3A_1088 : i32
      %and3A_1090 = arith.andi %ne3A_1086, %ne3A_1089 : i1
      %sub3A_1091 = arith.constant 1 : i32
      %sub3A_1092 = arith.subi %div3A_1071, %sub3A_1091 : i32
      %select_n3A_1093 = arith.select %and3A_1090, %sub3A_1092, %div3A_1071 : i32
      %jit3A_1094 = arith.constant 2 : i32
      %eq3A_1095 = arith.constant 0 : i32
      %eq3A_1096 = arith.cmpi eq, %jit3A_1094, %eq3A_1095 : i32
      %jit3A_1097 = arith.constant 1 : i32
      %select_n3A_1098 = arith.select %eq3A_1096, %jit3A_1097, %jit3A_1094 : i32
      %rem3A_1099 = arith.remsi %add3A_1039, %select_n3A_1098 : i32
      %ne3A_1100 = arith.constant 0 : i32
      %ne3A_1101 = arith.cmpi ne, %rem3A_1099, %ne3A_1100 : i32
      %lt3A_1102 = arith.constant 0 : i32
      %lt3A_1103 = arith.cmpi slt, %rem3A_1099, %lt3A_1102 : i32
      %lt3A_1104 = arith.constant 0 : i32
      %lt3A_1105 = arith.cmpi slt, %select_n3A_1098, %lt3A_1104 : i32
      %ne3A_1106 = arith.xori %lt3A_1103, %lt3A_1105 : i1
      %and3A_1107 = arith.andi %ne3A_1106, %ne3A_1101 : i1
      %add3A_1108 = arith.addi %rem3A_1099, %select_n3A_1098 : i32
      %select_n3A_1109 = arith.select %and3A_1107, %add3A_1108, %rem3A_1099 : i32
      %mul3A_1110 = arith.constant 64 : i32
      %mul3A_1111 = arith.muli %select_n3A_1109, %mul3A_1110 : i32
      %gather3A_1112 = arith.constant 6 : i32
      %gather3A_1113 = arith.constant 0 : i32
      %gather3A_1114 = arith.constant 0 : i32
      %gather3A_1115 = arith.constant 0 : i32
      %gather3A_1116 = arith.constant 0 : i32
      %gather3A_1117 = tpu.memref_slice %arg6[%gather3A_1112, %gather3A_1113, %gather3A_1114, %gather3A_1115, %gather3A_1116] : memref<8x2x2x16x128xf32, #tpu.memory_space<vmem>> -> memref<1x1x1x16x128xf32, #tpu.memory_space<vmem>>
      %gather3A_1118 = tpu.memref_squeeze %gather3A_1117 : memref<1x1x1x16x128xf32, #tpu.memory_space<vmem>> -> memref<16x128xf32, #tpu.memory_space<vmem>>
      %gather3A_1119 = tpu.vector_load_idx %gather3A_1118[%iota3A, %broadcast_in_dim3A_1069] : memref<16x128xf32, #tpu.memory_space<vmem>>[vector<16xi32>, vector<16xi32>], vector<16xf32>,
      %add3A_1120 = arith.constant 0 : i32
      %add3A_1121 = arith.addi %mul3A_1111, %add3A_1120 : i32
      %swap3A_1122 = arith.index_cast %select_n3A_1093 : i32 to index
      %swap3A_1123 = arith.index_cast %add3A_1121 : i32 to index
      %swap3A_1124 = tpu.vector_load %arg7[%swap3A_1122, %swap3A_1123] {strides = array<i32>} : memref<256x128xf32, #tpu.memory_space<vmem>>, vector<16xf32>,
      tpu.vector_store %arg7[%swap3A_1122, %swap3A_1123], %gather3A_1119 {strides = array<i32>} : memref<256x128xf32, #tpu.memory_space<vmem>>, vector<16xf32>,
      %gather3A_1125 = arith.constant 6 : i32
      %gather3A_1126 = arith.constant 0 : i32
      %gather3A_1127 = arith.constant 1 : i32
      %gather3A_1128 = arith.constant 0 : i32
      %gather3A_1129 = arith.constant 0 : i32
      %gather3A_1130 = tpu.memref_slice %arg6[%gather3A_1125, %gather3A_1126, %gather3A_1127, %gather3A_1128, %gather3A_1129] : memref<8x2x2x16x128xf32, #tpu.memory_space<vmem>> -> memref<1x1x1x16x128xf32, #tpu.memory_space<vmem>>
      %gather3A_1131 = tpu.memref_squeeze %gather3A_1130 : memref<1x1x1x16x128xf32, #tpu.memory_space<vmem>> -> memref<16x128xf32, #tpu.memory_space<vmem>>
      %gather3A_1132 = tpu.vector_load_idx %gather3A_1131[%iota3A, %broadcast_in_dim3A_1069] : memref<16x128xf32, #tpu.memory_space<vmem>>[vector<16xi32>, vector<16xi32>], vector<16xf32>,
      %add3A_1133 = arith.constant 16 : i32
      %add3A_1134 = arith.addi %mul3A_1111, %add3A_1133 : i32
      %swap3A_1135 = arith.index_cast %select_n3A_1093 : i32 to index
      %swap3A_1136 = arith.index_cast %add3A_1134 : i32 to index
      %swap3A_1137 = tpu.vector_load %arg7[%swap3A_1135, %swap3A_1136] {strides = array<i32>} : memref<256x128xf32, #tpu.memory_space<vmem>>, vector<16xf32>,
      tpu.vector_store %arg7[%swap3A_1135, %swap3A_1136], %gather3A_1132 {strides = array<i32>} : memref<256x128xf32, #tpu.memory_space<vmem>>, vector<16xf32>,
      %gather3A_1138 = arith.constant 6 : i32
      %gather3A_1139 = arith.constant 1 : i32
      %gather3A_1140 = arith.constant 0 : i32
      %gather3A_1141 = arith.constant 0 : i32
      %gather3A_1142 = arith.constant 0 : i32
      %gather3A_1143 = tpu.memref_slice %arg6[%gather3A_1138, %gather3A_1139, %gather3A_1140, %gather3A_1141, %gather3A_1142] : memref<8x2x2x16x128xf32, #tpu.memory_space<vmem>> -> memref<1x1x1x16x128xf32, #tpu.memory_space<vmem>>
      %gather3A_1144 = tpu.memref_squeeze %gather3A_1143 : memref<1x1x1x16x128xf32, #tpu.memory_space<vmem>> -> memref<16x128xf32, #tpu.memory_space<vmem>>
      %gather3A_1145 = tpu.vector_load_idx %gather3A_1144[%iota3A, %broadcast_in_dim3A_1069] : memref<16x128xf32, #tpu.memory_space<vmem>>[vector<16xi32>, vector<16xi32>], vector<16xf32>,
      %add3A_1146 = arith.constant 32 : i32
      %add3A_1147 = arith.addi %mul3A_1111, %add3A_1146 : i32
      %swap3A_1148 = arith.index_cast %select_n3A_1093 : i32 to index
      %swap3A_1149 = arith.index_cast %add3A_1147 : i32 to index
      %swap3A_1150 = tpu.vector_load %arg7[%swap3A_1148, %swap3A_1149] {strides = array<i32>} : memref<256x128xf32, #tpu.memory_space<vmem>>, vector<16xf32>,
      tpu.vector_store %arg7[%swap3A_1148, %swap3A_1149], %gather3A_1145 {strides = array<i32>} : memref<256x128xf32, #tpu.memory_space<vmem>>, vector<16xf32>,
      %gather3A_1151 = arith.constant 6 : i32
      %gather3A_1152 = arith.constant 1 : i32
      %gather3A_1153 = arith.constant 1 : i32
      %gather3A_1154 = arith.constant 0 : i32
      %gather3A_1155 = arith.constant 0 : i32
      %gather3A_1156 = tpu.memref_slice %arg6[%gather3A_1151, %gather3A_1152, %gather3A_1153, %gather3A_1154, %gather3A_1155] : memref<8x2x2x16x128xf32, #tpu.memory_space<vmem>> -> memref<1x1x1x16x128xf32, #tpu.memory_space<vmem>>
      %gather3A_1157 = tpu.memref_squeeze %gather3A_1156 : memref<1x1x1x16x128xf32, #tpu.memory_space<vmem>> -> memref<16x128xf32, #tpu.memory_space<vmem>>
      %gather3A_1158 = tpu.vector_load_idx %gather3A_1157[%iota3A, %broadcast_in_dim3A_1069] : memref<16x128xf32, #tpu.memory_space<vmem>>[vector<16xi32>, vector<16xi32>], vector<16xf32>,
      %add3A_1159 = arith.constant 48 : i32
      %add3A_1160 = arith.addi %mul3A_1111, %add3A_1159 : i32
      %swap3A_1161 = arith.index_cast %select_n3A_1093 : i32 to index
      %swap3A_1162 = arith.index_cast %add3A_1160 : i32 to index
      %swap3A_1163 = tpu.vector_load %arg7[%swap3A_1161, %swap3A_1162] {strides = array<i32>} : memref<256x128xf32, #tpu.memory_space<vmem>>, vector<16xf32>,
      tpu.vector_store %arg7[%swap3A_1161, %swap3A_1162], %gather3A_1158 {strides = array<i32>} : memref<256x128xf32, #tpu.memory_space<vmem>>, vector<16xf32>,
      %add3A_1164 = arith.constant 1 : i32
      %add3A_1165 = arith.addi %scan3A_241, %add3A_1164 : i32
      %lt3A_1166 = arith.constant 64 : i32
      %lt3A_1167 = arith.cmpi slt, %add3A_1165, %lt3A_1166 : i32
      %convert_element_type3A_1168 = arith.extui %lt3A_1167 : i1 to i32
      %cond3A_1169 = arith.constant 0 : i32
      %cond3A_1170 = arith.cmpi ne, %convert_element_type3A_1168, %cond3A_1169 : i32
      scf.if %cond3A_1170 {
        %add3A_1306 = arith.constant 8 : i32
        %add3A_1307 = arith.addi %add3A_1039, %add3A_1306 : i32
        %get3A_1308 = arith.index_cast %add3A_1307 : i32 to index
        %get3A_1309 = tpu.vector_load %arg5[%get3A_1308] {strides = array<i32>} : memref<528xi32, #tpu.memory_space<vmem>>, vector<16xi32>,
        %slice3A_1310 = vector.extract_strided_slice %get3A_1309 {offsets = [0], sizes = [1], strides = [1]} : vector<16xi32> to vector<1xi32>
        %squeeze3A_1311 = vector.extract %slice3A_1310[0] : i32 from vector<1xi32>
        %shift_right_arithmetic3A_1312 = arith.constant 7 : i32
        %shift_right_arithmetic3A_1313 = arith.shrsi %squeeze3A_1311, %shift_right_arithmetic3A_1312 : i32
        %shift_left3A_1314 = arith.constant 7 : i32
        %shift_left3A_1315 = arith.shli %shift_right_arithmetic3A_1313, %shift_left3A_1314 : i32
        %multiple_of3A_1316 = tpu.assume_multiple %shift_left3A_1315, 128 : i32
        %dma_start3A_1317 = arith.constant 6 : i32
        %dma_start3A_1318 = arith.constant 0 : i32
        %dma_start3A_1319 = arith.constant 0 : i32
        %dma_start3A_1320 = arith.constant 0 : i32
        %dma_start3A_1321 = arith.constant 0 : i32
        %dma_start3A_1322 = tpu.memref_slice %arg6[%dma_start3A_1317, %dma_start3A_1318, %dma_start3A_1319, %dma_start3A_1320, %dma_start3A_1321] : memref<8x2x2x16x128xf32, #tpu.memory_space<vmem>> -> memref<1x2x2x16x128xf32, #tpu.memory_space<vmem>>
        %dma_start3A_1323 = tpu.memref_squeeze %dma_start3A_1322 : memref<1x2x2x16x128xf32, #tpu.memory_space<vmem>> -> memref<2x2x16x128xf32, #tpu.memory_space<vmem>>
        %dma_start3A_1324 = arith.constant 0 : i32
        %dma_start3A_1325 = arith.constant 0 : i32
        %dma_start3A_1326 = arith.constant 0 : i32
        %dma_start3A_1327 = tpu.memref_slice %arg3[%dma_start3A_1324, %dma_start3A_1325, %dma_start3A_1326, %multiple_of3A_1316] : memref<2x2x16x1000000xf32, #tpu.memory_space<hbm>> -> memref<2x2x16x128xf32, #tpu.memory_space<hbm>>
        %dma_start3A_1328 = arith.constant 0 : i32
        %dma_start3A_1329 = arith.constant 0 : i32
        %dma_start3A_1330 = arith.constant 0 : i32
        %dma_start3A_1331 = arith.constant 0 : i32
        %dma_start3A_1332 = tpu.memref_slice %arg6[%dma_start3A_1317, %dma_start3A_1328, %dma_start3A_1329, %dma_start3A_1330, %dma_start3A_1331] : memref<8x2x2x16x128xf32, #tpu.memory_space<vmem>> -> memref<1x2x2x16x128xf32, #tpu.memory_space<vmem>>
        %dma_start3A_1333 = tpu.memref_squeeze %dma_start3A_1332 : memref<1x2x2x16x128xf32, #tpu.memory_space<vmem>> -> memref<2x2x16x128xf32, #tpu.memory_space<vmem>>
        %dma_start3A_1334 = arith.constant 0 : i32
        %dma_start3A_1335 = arith.constant 0 : i32
        %dma_start3A_1336 = arith.constant 0 : i32
        %dma_start3A_1337 = tpu.memref_slice %arg3[%dma_start3A_1334, %dma_start3A_1335, %dma_start3A_1336, %multiple_of3A_1316] : memref<2x2x16x1000000xf32, #tpu.memory_space<hbm>> -> memref<2x2x16x128xf32, #tpu.memory_space<hbm>>
        tpu.enqueue_dma source(%dma_start3A_1337 : memref<2x2x16x128xf32, #tpu.memory_space<hbm>>) target(%dma_start3A_1333 : memref<2x2x16x128xf32, #tpu.memory_space<vmem>>) target_semaphore(%arg8 : memref<!tpu.dma_semaphore, #tpu.memory_space<semaphore_mem>>)
      } else {
      }
      %mul3A_1171 = arith.constant 8 : i32
      %mul3A_1172 = arith.muli %scan3A_241, %mul3A_1171 : i32
      %add3A_1173 = arith.constant 7 : i32
      %add3A_1174 = arith.addi %mul3A_1172, %add3A_1173 : i32
      %dma_wait3A_1175 = arith.constant 7 : i32
      %dma_wait3A_1176 = arith.constant 0 : i32
      %dma_wait3A_1177 = arith.constant 0 : i32
      %dma_wait3A_1178 = arith.constant 0 : i32
      %dma_wait3A_1179 = arith.constant 0 : i32
      %dma_wait3A_1180 = tpu.memref_slice %arg6[%dma_wait3A_1175, %dma_wait3A_1176, %dma_wait3A_1177, %dma_wait3A_1178, %dma_wait3A_1179] : memref<8x2x2x16x128xf32, #tpu.memory_space<vmem>> -> memref<1x2x2x16x128xf32, #tpu.memory_space<vmem>>
      %dma_wait3A_1181 = tpu.memref_squeeze %dma_wait3A_1180 : memref<1x2x2x16x128xf32, #tpu.memory_space<vmem>> -> memref<2x2x16x128xf32, #tpu.memory_space<vmem>>
      %dma_wait3A_1182 = arith.constant 0 : i32
      %dma_wait3A_1183 = arith.constant 0 : i32
      %dma_wait3A_1184 = arith.constant 0 : i32
      %dma_wait3A_1185 = arith.constant 0 : i32
      %dma_wait3A_1186 = tpu.memref_slice %arg3[%dma_wait3A_1182, %dma_wait3A_1183, %dma_wait3A_1184, %dma_wait3A_1185] : memref<2x2x16x1000000xf32, #tpu.memory_space<hbm>> -> memref<2x2x16x128xf32, #tpu.memory_space<hbm>>
      %dma_wait3A_1187 = arith.constant 0 : i32
      %dma_wait3A_1188 = arith.constant 0 : i32
      %dma_wait3A_1189 = arith.constant 0 : i32
      %dma_wait3A_1190 = arith.constant 0 : i32
      %dma_wait3A_1191 = tpu.memref_slice %arg6[%dma_wait3A_1175, %dma_wait3A_1187, %dma_wait3A_1188, %dma_wait3A_1189, %dma_wait3A_1190] : memref<8x2x2x16x128xf32, #tpu.memory_space<vmem>> -> memref<1x2x2x16x128xf32, #tpu.memory_space<vmem>>
      %dma_wait3A_1192 = tpu.memref_squeeze %dma_wait3A_1191 : memref<1x2x2x16x128xf32, #tpu.memory_space<vmem>> -> memref<2x2x16x128xf32, #tpu.memory_space<vmem>>
      %dma_wait3A_1193 = arith.constant 0 : i32
      %dma_wait3A_1194 = arith.constant 0 : i32
      %dma_wait3A_1195 = arith.constant 0 : i32
      %dma_wait3A_1196 = arith.constant 0 : i32
      %dma_wait3A_1197 = tpu.memref_slice %arg3[%dma_wait3A_1193, %dma_wait3A_1194, %dma_wait3A_1195, %dma_wait3A_1196] : memref<2x2x16x1000000xf32, #tpu.memory_space<hbm>> -> memref<2x2x16x128xf32, #tpu.memory_space<hbm>>
      tpu.wait_dma2 semaphore(%arg8 : memref<!tpu.dma_semaphore, #tpu.memory_space<semaphore_mem>>) src(%dma_wait3A_1197 : memref<2x2x16x128xf32, #tpu.memory_space<hbm>>) dst(%dma_wait3A_1192 : memref<2x2x16x128xf32, #tpu.memory_space<vmem>>)
      %get3A_1198 = arith.index_cast %add3A_1174 : i32 to index
      %get3A_1199 = tpu.vector_load %arg5[%get3A_1198] {strides = array<i32>} : memref<528xi32, #tpu.memory_space<vmem>>, vector<16xi32>,
      %slice3A_1200 = vector.extract_strided_slice %get3A_1199 {offsets = [0], sizes = [1], strides = [1]} : vector<16xi32> to vector<1xi32>
      %squeeze3A_1201 = vector.extract %slice3A_1200[0] : i32 from vector<1xi32>
      %and3A_1202 = arith.constant 127 : i32
      %and3A_1203 = arith.andi %squeeze3A_1201, %and3A_1202 : i32
      %broadcast_in_dim3A_1204 = vector.broadcast %and3A_1203 : i32 to vector<16xi32>
      %jit3A_1205 = arith.constant 2 : i32
      %div3A_1206 = arith.divsi %add3A_1174, %jit3A_1205 : i32
      %sign3A_1207 = arith.constant 0 : i32
      %sign3A_1208 = arith.cmpi sgt, %add3A_1174, %sign3A_1207 : i32
      %sign3A_1209 = arith.extui %sign3A_1208 : i1 to i32
      %sign3A_1210 = arith.constant 0 : i32
      %sign3A_1211 = arith.cmpi slt, %add3A_1174, %sign3A_1210 : i32
      %sign3A_1212 = arith.extui %sign3A_1211 : i1 to i32
      %sign3A_1213 = arith.subi %sign3A_1209, %sign3A_1212 : i32
      %sign3A_1214 = arith.constant 0 : i32
      %sign3A_1215 = arith.cmpi sgt, %jit3A_1205, %sign3A_1214 : i32
      %sign3A_1216 = arith.extui %sign3A_1215 : i1 to i32
      %sign3A_1217 = arith.constant 0 : i32
      %sign3A_1218 = arith.cmpi slt, %jit3A_1205, %sign3A_1217 : i32
      %sign3A_1219 = arith.extui %sign3A_1218 : i1 to i32
      %sign3A_1220 = arith.subi %sign3A_1216, %sign3A_1219 : i32
      %ne3A_1221 = arith.cmpi ne, %sign3A_1213, %sign3A_1220 : i32
      %rem3A_1222 = arith.remsi %add3A_1174, %jit3A_1205 : i32
      %ne3A_1223 = arith.constant 0 : i32
      %ne3A_1224 = arith.cmpi ne, %rem3A_1222, %ne3A_1223 : i32
      %and3A_1225 = arith.andi %ne3A_1221, %ne3A_1224 : i1
      %sub3A_1226 = arith.constant 1 : i32
      %sub3A_1227 = arith.subi %div3A_1206, %sub3A_1226 : i32
      %select_n3A_1228 = arith.select %and3A_1225, %sub3A_1227, %div3A_1206 : i32
      %jit3A_1229 = arith.constant 2 : i32
      %eq3A_1230 = arith.constant 0 : i32
      %eq3A_1231 = arith.cmpi eq, %jit3A_1229, %eq3A_1230 : i32
      %jit3A_1232 = arith.constant 1 : i32
      %select_n3A_1233 = arith.select %eq3A_1231, %jit3A_1232, %jit3A_1229 : i32
      %rem3A_1234 = arith.remsi %add3A_1174, %select_n3A_1233 : i32
      %ne3A_1235 = arith.constant 0 : i32
      %ne3A_1236 = arith.cmpi ne, %rem3A_1234, %ne3A_1235 : i32
      %lt3A_1237 = arith.constant 0 : i32
      %lt3A_1238 = arith.cmpi slt, %rem3A_1234, %lt3A_1237 : i32
      %lt3A_1239 = arith.constant 0 : i32
      %lt3A_1240 = arith.cmpi slt, %select_n3A_1233, %lt3A_1239 : i32
      %ne3A_1241 = arith.xori %lt3A_1238, %lt3A_1240 : i1
      %and3A_1242 = arith.andi %ne3A_1241, %ne3A_1236 : i1
      %add3A_1243 = arith.addi %rem3A_1234, %select_n3A_1233 : i32
      %select_n3A_1244 = arith.select %and3A_1242, %add3A_1243, %rem3A_1234 : i32
      %mul3A_1245 = arith.constant 64 : i32
      %mul3A_1246 = arith.muli %select_n3A_1244, %mul3A_1245 : i32
      %gather3A_1247 = arith.constant 7 : i32
      %gather3A_1248 = arith.constant 0 : i32
      %gather3A_1249 = arith.constant 0 : i32
      %gather3A_1250 = arith.constant 0 : i32
      %gather3A_1251 = arith.constant 0 : i32
      %gather3A_1252 = tpu.memref_slice %arg6[%gather3A_1247, %gather3A_1248, %gather3A_1249, %gather3A_1250, %gather3A_1251] : memref<8x2x2x16x128xf32, #tpu.memory_space<vmem>> -> memref<1x1x1x16x128xf32, #tpu.memory_space<vmem>>
      %gather3A_1253 = tpu.memref_squeeze %gather3A_1252 : memref<1x1x1x16x128xf32, #tpu.memory_space<vmem>> -> memref<16x128xf32, #tpu.memory_space<vmem>>
      %gather3A_1254 = tpu.vector_load_idx %gather3A_1253[%iota3A, %broadcast_in_dim3A_1204] : memref<16x128xf32, #tpu.memory_space<vmem>>[vector<16xi32>, vector<16xi32>], vector<16xf32>,
      %add3A_1255 = arith.constant 0 : i32
      %add3A_1256 = arith.addi %mul3A_1246, %add3A_1255 : i32
      %swap3A_1257 = arith.index_cast %select_n3A_1228 : i32 to index
      %swap3A_1258 = arith.index_cast %add3A_1256 : i32 to index
      %swap3A_1259 = tpu.vector_load %arg7[%swap3A_1257, %swap3A_1258] {strides = array<i32>} : memref<256x128xf32, #tpu.memory_space<vmem>>, vector<16xf32>,
      tpu.vector_store %arg7[%swap3A_1257, %swap3A_1258], %gather3A_1254 {strides = array<i32>} : memref<256x128xf32, #tpu.memory_space<vmem>>, vector<16xf32>,
      %gather3A_1260 = arith.constant 7 : i32
      %gather3A_1261 = arith.constant 0 : i32
      %gather3A_1262 = arith.constant 1 : i32
      %gather3A_1263 = arith.constant 0 : i32
      %gather3A_1264 = arith.constant 0 : i32
      %gather3A_1265 = tpu.memref_slice %arg6[%gather3A_1260, %gather3A_1261, %gather3A_1262, %gather3A_1263, %gather3A_1264] : memref<8x2x2x16x128xf32, #tpu.memory_space<vmem>> -> memref<1x1x1x16x128xf32, #tpu.memory_space<vmem>>
      %gather3A_1266 = tpu.memref_squeeze %gather3A_1265 : memref<1x1x1x16x128xf32, #tpu.memory_space<vmem>> -> memref<16x128xf32, #tpu.memory_space<vmem>>
      %gather3A_1267 = tpu.vector_load_idx %gather3A_1266[%iota3A, %broadcast_in_dim3A_1204] : memref<16x128xf32, #tpu.memory_space<vmem>>[vector<16xi32>, vector<16xi32>], vector<16xf32>,
      %add3A_1268 = arith.constant 16 : i32
      %add3A_1269 = arith.addi %mul3A_1246, %add3A_1268 : i32
      %swap3A_1270 = arith.index_cast %select_n3A_1228 : i32 to index
      %swap3A_1271 = arith.index_cast %add3A_1269 : i32 to index
      %swap3A_1272 = tpu.vector_load %arg7[%swap3A_1270, %swap3A_1271] {strides = array<i32>} : memref<256x128xf32, #tpu.memory_space<vmem>>, vector<16xf32>,
      tpu.vector_store %arg7[%swap3A_1270, %swap3A_1271], %gather3A_1267 {strides = array<i32>} : memref<256x128xf32, #tpu.memory_space<vmem>>, vector<16xf32>,
      %gather3A_1273 = arith.constant 7 : i32
      %gather3A_1274 = arith.constant 1 : i32
      %gather3A_1275 = arith.constant 0 : i32
      %gather3A_1276 = arith.constant 0 : i32
      %gather3A_1277 = arith.constant 0 : i32
      %gather3A_1278 = tpu.memref_slice %arg6[%gather3A_1273, %gather3A_1274, %gather3A_1275, %gather3A_1276, %gather3A_1277] : memref<8x2x2x16x128xf32, #tpu.memory_space<vmem>> -> memref<1x1x1x16x128xf32, #tpu.memory_space<vmem>>
      %gather3A_1279 = tpu.memref_squeeze %gather3A_1278 : memref<1x1x1x16x128xf32, #tpu.memory_space<vmem>> -> memref<16x128xf32, #tpu.memory_space<vmem>>
      %gather3A_1280 = tpu.vector_load_idx %gather3A_1279[%iota3A, %broadcast_in_dim3A_1204] : memref<16x128xf32, #tpu.memory_space<vmem>>[vector<16xi32>, vector<16xi32>], vector<16xf32>,
      %add3A_1281 = arith.constant 32 : i32
      %add3A_1282 = arith.addi %mul3A_1246, %add3A_1281 : i32
      %swap3A_1283 = arith.index_cast %select_n3A_1228 : i32 to index
      %swap3A_1284 = arith.index_cast %add3A_1282 : i32 to index
      %swap3A_1285 = tpu.vector_load %arg7[%swap3A_1283, %swap3A_1284] {strides = array<i32>} : memref<256x128xf32, #tpu.memory_space<vmem>>, vector<16xf32>,
      tpu.vector_store %arg7[%swap3A_1283, %swap3A_1284], %gather3A_1280 {strides = array<i32>} : memref<256x128xf32, #tpu.memory_space<vmem>>, vector<16xf32>,
      %gather3A_1286 = arith.constant 7 : i32
      %gather3A_1287 = arith.constant 1 : i32
      %gather3A_1288 = arith.constant 1 : i32
      %gather3A_1289 = arith.constant 0 : i32
      %gather3A_1290 = arith.constant 0 : i32
      %gather3A_1291 = tpu.memref_slice %arg6[%gather3A_1286, %gather3A_1287, %gather3A_1288, %gather3A_1289, %gather3A_1290] : memref<8x2x2x16x128xf32, #tpu.memory_space<vmem>> -> memref<1x1x1x16x128xf32, #tpu.memory_space<vmem>>
      %gather3A_1292 = tpu.memref_squeeze %gather3A_1291 : memref<1x1x1x16x128xf32, #tpu.memory_space<vmem>> -> memref<16x128xf32, #tpu.memory_space<vmem>>
      %gather3A_1293 = tpu.vector_load_idx %gather3A_1292[%iota3A, %broadcast_in_dim3A_1204] : memref<16x128xf32, #tpu.memory_space<vmem>>[vector<16xi32>, vector<16xi32>], vector<16xf32>,
      %add3A_1294 = arith.constant 48 : i32
      %add3A_1295 = arith.addi %mul3A_1246, %add3A_1294 : i32
      %swap3A_1296 = arith.index_cast %select_n3A_1228 : i32 to index
      %swap3A_1297 = arith.index_cast %add3A_1295 : i32 to index
      %swap3A_1298 = tpu.vector_load %arg7[%swap3A_1296, %swap3A_1297] {strides = array<i32>} : memref<256x128xf32, #tpu.memory_space<vmem>>, vector<16xf32>,
      tpu.vector_store %arg7[%swap3A_1296, %swap3A_1297], %gather3A_1293 {strides = array<i32>} : memref<256x128xf32, #tpu.memory_space<vmem>>, vector<16xf32>,
      %add3A_1299 = arith.constant 1 : i32
      %add3A_1300 = arith.addi %scan3A_241, %add3A_1299 : i32
      %lt3A_1301 = arith.constant 64 : i32
      %lt3A_1302 = arith.cmpi slt, %add3A_1300, %lt3A_1301 : i32
      %convert_element_type3A_1303 = arith.extui %lt3A_1302 : i1 to i32
      %cond3A_1304 = arith.constant 0 : i32
      %cond3A_1305 = arith.cmpi ne, %convert_element_type3A_1303, %cond3A_1304 : i32
      scf.if %cond3A_1305 {
        %add3A_1306 = arith.constant 8 : i32
        %add3A_1307 = arith.addi %add3A_1174, %add3A_1306 : i32
        %get3A_1308 = arith.index_cast %add3A_1307 : i32 to index
        %get3A_1309 = tpu.vector_load %arg5[%get3A_1308] {strides = array<i32>} : memref<528xi32, #tpu.memory_space<vmem>>, vector<16xi32>,
        %slice3A_1310 = vector.extract_strided_slice %get3A_1309 {offsets = [0], sizes = [1], strides = [1]} : vector<16xi32> to vector<1xi32>
        %squeeze3A_1311 = vector.extract %slice3A_1310[0] : i32 from vector<1xi32>
        %shift_right_arithmetic3A_1312 = arith.constant 7 : i32
        %shift_right_arithmetic3A_1313 = arith.shrsi %squeeze3A_1311, %shift_right_arithmetic3A_1312 : i32
        %shift_left3A_1314 = arith.constant 7 : i32
        %shift_left3A_1315 = arith.shli %shift_right_arithmetic3A_1313, %shift_left3A_1314 : i32
        %multiple_of3A_1316 = tpu.assume_multiple %shift_left3A_1315, 128 : i32
        %dma_start3A_1317 = arith.constant 7 : i32
        %dma_start3A_1318 = arith.constant 0 : i32
        %dma_start3A_1319 = arith.constant 0 : i32
        %dma_start3A_1320 = arith.constant 0 : i32
        %dma_start3A_1321 = arith.constant 0 : i32
        %dma_start3A_1322 = tpu.memref_slice %arg6[%dma_start3A_1317, %dma_start3A_1318, %dma_start3A_1319, %dma_start3A_1320, %dma_start3A_1321] : memref<8x2x2x16x128xf32, #tpu.memory_space<vmem>> -> memref<1x2x2x16x128xf32, #tpu.memory_space<vmem>>
        %dma_start3A_1323 = tpu.memref_squeeze %dma_start3A_1322 : memref<1x2x2x16x128xf32, #tpu.memory_space<vmem>> -> memref<2x2x16x128xf32, #tpu.memory_space<vmem>>
        %dma_start3A_1324 = arith.constant 0 : i32
        %dma_start3A_1325 = arith.constant 0 : i32
        %dma_start3A_1326 = arith.constant 0 : i32
        %dma_start3A_1327 = tpu.memref_slice %arg3[%dma_start3A_1324, %dma_start3A_1325, %dma_start3A_1326, %multiple_of3A_1316] : memref<2x2x16x1000000xf32, #tpu.memory_space<hbm>> -> memref<2x2x16x128xf32, #tpu.memory_space<hbm>>
        %dma_start3A_1328 = arith.constant 0 : i32
        %dma_start3A_1329 = arith.constant 0 : i32
        %dma_start3A_1330 = arith.constant 0 : i32
        %dma_start3A_1331 = arith.constant 0 : i32
        %dma_start3A_1332 = tpu.memref_slice %arg6[%dma_start3A_1317, %dma_start3A_1328, %dma_start3A_1329, %dma_start3A_1330, %dma_start3A_1331] : memref<8x2x2x16x128xf32, #tpu.memory_space<vmem>> -> memref<1x2x2x16x128xf32, #tpu.memory_space<vmem>>
        %dma_start3A_1333 = tpu.memref_squeeze %dma_start3A_1332 : memref<1x2x2x16x128xf32, #tpu.memory_space<vmem>> -> memref<2x2x16x128xf32, #tpu.memory_space<vmem>>
        %dma_start3A_1334 = arith.constant 0 : i32
        %dma_start3A_1335 = arith.constant 0 : i32
        %dma_start3A_1336 = arith.constant 0 : i32
        %dma_start3A_1337 = tpu.memref_slice %arg3[%dma_start3A_1334, %dma_start3A_1335, %dma_start3A_1336, %multiple_of3A_1316] : memref<2x2x16x1000000xf32, #tpu.memory_space<hbm>> -> memref<2x2x16x128xf32, #tpu.memory_space<hbm>>
        tpu.enqueue_dma source(%dma_start3A_1337 : memref<2x2x16x128xf32, #tpu.memory_space<hbm>>) target(%dma_start3A_1333 : memref<2x2x16x128xf32, #tpu.memory_space<vmem>>) target_semaphore(%arg8 : memref<!tpu.dma_semaphore, #tpu.memory_space<semaphore_mem>>)
      } else {
      }
    }
    %scan3A_240 = arith.constant 64 : i32
    "tpu.region"() ({
      %run_scoped3A = tpu.sem_alloc : memref<!tpu.dma_semaphore, #tpu.memory_space<semaphore_mem>>
      %dma_start3A_241 = arith.constant 0 : i32
      %dma_start3A_242 = arith.constant 0 : i32
      %dma_start3A_243 = tpu.memref_slice %arg4[%add3A, %dma_start3A_241, %dma_start3A_242] : memref<32x256x128xf32, #tpu.memory_space<hbm>> -> memref<1x256x128xf32, #tpu.memory_space<hbm>>
      %dma_start3A_244 = tpu.memref_squeeze %dma_start3A_243 : memref<1x256x128xf32, #tpu.memory_space<hbm>> -> memref<256x128xf32, #tpu.memory_space<hbm>>
      %dma_start3A_245 = arith.constant 0 : i32
      %dma_start3A_246 = arith.constant 0 : i32
      %dma_start3A_247 = tpu.memref_slice %arg4[%add3A, %dma_start3A_245, %dma_start3A_246] : memref<32x256x128xf32, #tpu.memory_space<hbm>> -> memref<1x256x128xf32, #tpu.memory_space<hbm>>
      %dma_start3A_248 = tpu.memref_squeeze %dma_start3A_247 : memref<1x256x128xf32, #tpu.memory_space<hbm>> -> memref<256x128xf32, #tpu.memory_space<hbm>>
      tpu.enqueue_dma source(%arg7 : memref<256x128xf32, #tpu.memory_space<vmem>>) target(%dma_start3A_248 : memref<256x128xf32, #tpu.memory_space<hbm>>) target_semaphore(%run_scoped3A : memref<!tpu.dma_semaphore, #tpu.memory_space<semaphore_mem>>)
      %dma_wait3A = arith.constant 0 : i32
      %dma_wait3A_249 = arith.constant 0 : i32
      %dma_wait3A_250 = tpu.memref_slice %arg4[%add3A, %dma_wait3A, %dma_wait3A_249] : memref<32x256x128xf32, #tpu.memory_space<hbm>> -> memref<1x256x128xf32, #tpu.memory_space<hbm>>
      %dma_wait3A_251 = tpu.memref_squeeze %dma_wait3A_250 : memref<1x256x128xf32, #tpu.memory_space<hbm>> -> memref<256x128xf32, #tpu.memory_space<hbm>>
      %dma_wait3A_252 = arith.constant 0 : i32
      %dma_wait3A_253 = arith.constant 0 : i32
      %dma_wait3A_254 = tpu.memref_slice %arg4[%add3A, %dma_wait3A_252, %dma_wait3A_253] : memref<32x256x128xf32, #tpu.memory_space<hbm>> -> memref<1x256x128xf32, #tpu.memory_space<hbm>>
      %dma_wait3A_255 = tpu.memref_squeeze %dma_wait3A_254 : memref<1x256x128xf32, #tpu.memory_space<hbm>> -> memref<256x128xf32, #tpu.memory_space<hbm>>
      tpu.wait_dma2 semaphore(%run_scoped3A : memref<!tpu.dma_semaphore, #tpu.memory_space<semaphore_mem>>) src(%arg7 : memref<256x128xf32, #tpu.memory_space<vmem>>) dst(%dma_wait3A_255 : memref<256x128xf32, #tpu.memory_space<hbm>>)
      tpu.yield
    }) : () -> ()
    return
  }
}

</mosaic_0001>

<sc_bundles>
// kernel: kernel.3.cloned.1.call-start
scs
__scs_entry_jumppad:
0x0: {  	(pc) =	sbr.rel $0x88, $3  }
0x1: {  	(tag) =	ssettag $0x0;
	lr =	simm.s32 $0x1  }
0x2: {  	[smem:$0x3F9F] =	sst lr;
	_ =	strace $0xD0000000  }
0x3: {  	_ = 	snop  }
0x4: {  	_ = 	snop  }
0x5: {  	_ = 	snop  }
0x6: {  	_ = 	snop  }
0x7: {  	_ = 	snop  }
__scs_overlays_trampoline_lowered:
0x8: {  	[smem:$0x3FAE] =	sst s0  }
0x9: {  	[smem:$0x3FAF] =	sst s1  }
0xa: {  	[smem:$0x3FB0] =	sst s2  }
0xb: {  	[smem:$0x3FB1] =	sst s3  }
0xc: {  	[smem:$0x3FB2] =	sst s4  }
0xd: {  	[smem:$0x3FB3] =	sst s5  }
0xe: {  	[smem:$0x3FB4] =	sst s6  }
0xf: {  	[smem:$0x3FB5] =	sst s7  }
0x10: {  	[smem:$0x3FB6] =	sst s8  }
0x11: {  	[smem:$0x3FB7] =	sst s9;
	s0 =	simm.s32 @!p0 $0x0  }
0x12: {  	s1 =	sld [smem:$0x3F9D];
	s0 =	simm.s32 @p0 $0x1  }
0x13: {  	[smem:$0x3FB8] =	sst s0;
	s0 =	simm.s32 @!p1 $0x0  }
0x14: {  	s2 =	sld [smem:$0x3F9C];
	s0 =	simm.s32 @p1 $0x1  }
0x15: {  	[smem:$0x3FB9] =	sst s0;
	s0 =	simm.s32 @!p2 $0x0  }
0x16: {  	s3 =	sld [smem:$0x3FDB];
	s0 =	simm.s32 @p2 $0x1  }
0x17: {  	s4 =	simm.s32 $0x1BF5;
	[smem:$0x3FBB] =	sst s0  }
0x18: {  	s0 =	sld [smem:$0x3F9E];
	_ =	swait.ge [sflag:s4], $0x0  }
0x19: {  	s7 =	sld [smem:$0x3F9F]  }
0x1a: {  	s8 =	sadd.s32 $0xFFFFE003, lr  }
0x1b: {  	s9 =	sadd.s32 $0xFFFFFEF7, lr;
	s5 =	simm.s32 $0xFFFFFFFF;
	p2 =	slt.u32 s8, $0xFFFFF086  }
0x1c: {  	p1 =	slt.u32 s9, $0xF7A;
	s5 =	simm.s32 @!p2 $0x0  }
0x1d: {  	s5 =	simm.s32 @p1 $0x1;
	p0 =	seq.s32 s7, s2  }
0x1e: {  	s7 =	smul.u32 @!p0 $0xF7A, s2;
	p2 =	seq.s32 @!p0 s5, $0x0  }
0x1f: {  	s9 =	smul.u32 $0xF7A, s1;
	s8 =	simm.s32 @!p0 $0x1BF5;
	p2 =	por !p2, p0  }
0x20: {  	[sflag:s8] =	ssyncset.s32 @!p0 $0xFFFFF086;
	s6 =	sadd.s32 @!p0 s3, s7;
	s7 =	simm.s32 @!p0 $0x108  }
0x21: {  	s3 =	sadd.s32 s3, s9;
	s6 =	sadd.s32 @!p0 $0x88, s6;
	s7 =	simm.s32 @p2 $0x1082  }
0x22: {  	[simem:s7], [sflag:s8] =	dma.local @!p0 [hbm:s6], $0xF7A  }
0x23: {  	s9 =	sor.u32 $0xD0000000, s2;
	s6 =	simm.s32 $0x108;
	_ =	swait.ge @!p0 [sflag:s8], $0x0  }
0x24: {  	s3 =	sadd.s32 $0x88, s3;
	s6 =	simm.s32 @!p1 $0x1082;
	[sflag:s4] =	ssyncset.s32 $0xFFFFF086  }
0x25: {  	[simem:s6], [sflag:s4] =	dma.local [hbm:s3], $0xF7A  }
0x26: {  	[smem:$0x3F9F] =	sst s1;
	(tag) =	ssettag s2;
	_ =	strace s9  }
0x27: {  	s1 =	sld [smem:$0x3FAF]  }
0x28: {  	s2 =	sld [smem:$0x3FB0]  }
0x29: {  	s4 =	sld [smem:$0x3FB2]  }
0x2a: {  	p0 =	seq.s32 s5, $0x0;
	s5 =	sld [smem:$0x3FB3]  }
0x2b: {  	s6 =	sld [smem:$0x3FB4]  }
0x2c: {  	s7 =	sld [smem:$0x3FB5]  }
0x2d: {  	s3 =	simm.s32 $0x108;
	s8 =	sld [smem:$0x3FB6]  }
0x2e: {  	s3 =	simm.s32 @!p0 $0x1082;
	s9 =	sld [smem:$0x3FB7]  }
0x2f: {  	lr =	sadd.s32 s0, s3;
	s0 =	sld [smem:$0x3FAE]  }
0x30: {  	s3 =	sld [smem:$0x3FB1]  }
0x31: {  	[smem:$0x3FBA] =	sst s10  }
0x32: {  	s10 =	sld [smem:$0x3FB8];
	_ =	sdelay $0x3  }
0x33: {  	p0 =	seq.s32 s10, $0x1;
	s10 =	sld [smem:$0x3FBA];
	_ =	sdelay $0x3  }
0x34: {  	[smem:$0x3FBA] =	sst s10  }
0x35: {  	s10 =	sld [smem:$0x3FB9];
	_ =	sdelay $0x3  }
0x36: {  	p1 =	seq.s32 s10, $0x1;
	s10 =	sld [smem:$0x3FBA];
	_ =	sdelay $0x3  }
0x37: {  	[smem:$0x3FBA] =	sst s10  }
0x38: {  	s10 =	sld [smem:$0x3FBB]  }
0x39: {  	_ = 	snop;
	(pc) =	sbr.ind lr, $3  }
0x3a: {  	_ = 	snop  }
0x3b: {  	_ = 	snop  }
0x3c: {  	p2 =	seq.s32 s10, $0x1;
	s10 =	sld [smem:$0x3FBA]  }
0x3d: {  	_ =	shalt  }
0x3e: {  	_ =	shalt  }
0x3f: {  	_ =	shalt  }
0x40: {  	_ =	shalt  }
0x41: {  	_ =	shalt  }
0x42: {  	_ =	shalt  }
0x43: {  	_ =	shalt  }
0x44: {  	_ =	shalt  }
0x45: {  	_ =	shalt  }
0x46: {  	_ =	shalt  }
0x47: {  	_ =	shalt  }
0x48: {  	_ =	shalt  }
0x49: {  	_ =	shalt  }
0x4a: {  	_ =	shalt  }
0x4b: {  	_ =	shalt  }
0x4c: {  	_ =	shalt  }
0x4d: {  	_ =	shalt  }
0x4e: {  	_ =	shalt  }
0x4f: {  	_ =	shalt  }
0x50: {  	_ =	shalt  }
0x51: {  	_ =	shalt  }
0x52: {  	_ =	shalt  }
0x53: {  	_ =	shalt  }
0x54: {  	_ =	shalt  }
0x55: {  	_ =	shalt  }
0x56: {  	_ =	shalt  }
0x57: {  	_ =	shalt  }
0x58: {  	_ =	shalt  }
0x59: {  	_ =	shalt  }
0x5a: {  	_ =	shalt  }
0x5b: {  	_ =	shalt  }
0x5c: {  	_ =	shalt  }
0x5d: {  	_ =	shalt  }
0x5e: {  	_ =	shalt  }
0x5f: {  	_ =	shalt  }
0x60: {  	_ =	shalt  }
0x61: {  	_ =	shalt  }
0x62: {  	_ =	shalt  }
0x63: {  	_ =	shalt  }
0x64: {  	_ =	shalt  }
0x65: {  	_ =	shalt  }
0x66: {  	_ =	shalt  }
0x67: {  	_ =	shalt  }
0x68: {  	_ =	shalt  }
0x69: {  	_ =	shalt  }
0x6a: {  	_ =	shalt  }
0x6b: {  	_ =	shalt  }
0x6c: {  	_ =	shalt  }
0x6d: {  	_ =	shalt  }
0x6e: {  	_ =	shalt  }
0x6f: {  	_ =	shalt  }
0x70: {  	_ =	shalt  }
0x71: {  	_ =	shalt  }
0x72: {  	_ =	shalt  }
0x73: {  	_ =	shalt  }
0x74: {  	_ =	shalt  }
0x75: {  	_ =	shalt  }
0x76: {  	_ =	shalt  }
0x77: {  	_ =	shalt  }
0x78: {  	_ =	shalt  }
0x79: {  	_ =	shalt  }
0x7a: {  	_ =	shalt  }
0x7b: {  	_ =	shalt  }
0x7c: {  	_ =	shalt  }
0x7d: {  	_ =	shalt  }
0x7e: {  	_ =	shalt  }
0x7f: {  	_ =	shalt  }
0x80: {  	_ =	shalt  }
0x81: {  	_ =	shalt  }
0x82: {  	_ =	shalt  }
0x83: {  	_ =	shalt  }
0x84: {  	_ =	shalt  }
0x85: {  	_ =	shalt  }
0x86: {  	_ =	shalt  }
0x87: {  	_ =	shalt  }
.Lfunc_end0:
.L_simem_size_0:
called_computation_lowered:
.L_overlay_start_0:
0x88: {  	s2 =	sld [smem:$0x3FD9]  }
0x89: {  	s3 =	sld [smem:$0x3FFE];
	_ =	sdelay $0x1  }
0x8a: {  	s1 =	srdreg.scid  }
0x8b: {  	s0 =	sand.u32 $0x1, s1  }
0x8c: {  	s18 =	sshll.u32 s0, $0xA;
	s2 =	sadd.s32 s3, s2  }
0x8d: {  	s2 =	sadd.s32 s2, s18  }
0x8e: {  	[smem:$0x3FC6] =	sst s2  }
0x8f: {  	_ = 	snop  }
0x90: {  	s2 =	sld [smem:$0x3FC9]  }
0x91: {  	s19 =	sld [smem:$0x3FC8]  }
0x92: {  	s4 =	sld [smem:$0x3FD0];
	(tm) =	ssettm $0x1  }
0x93: {  	s5 =	sld [smem:$0x3FFB];
	_ =	sdelay $0x3  }
0x94: {  	_ =	strace s5  }
0x95: {  	s5 =	sld [smem:$0x3FFC];
	_ =	sdelay $0x3  }
0x96: {  	_ =	strace s5  }
0x97: {  	s5 =	sld [smem:$0x3FFD];
	_ =	sdelay $0x3  }
0x98: {  	_ =	strace s5  }
0x99: {  	_ =	strace $0x8FFFFFFF  }
0x9a: {  	s20 =	sld [smem:$0x3FDB];
	_ =	sdelay $0x1  }
0x9b: {  	s6 =	simm.s32 $_scs_section_size  }
0x9c: {  	s7 =	simm.s32 $_size__tile_overlayer_lowered;
	s8 =	simm.s32 $_tile_overlayer_lowered  }
0x9d: {  	s23 =	simm.s32 $0x1BFF;
	s22 =	sshll.u32 s8, $0x1;
	s5 =	sadd.s32 s6, s20  }
0x9e: {  	s9 =	simm.s32 $0x0;
	s21 =	sshll.u32 s7, $0x1;
	s7 =	sadd.s32 s22, s5  }
0x9f: {  	[timem:s9], [sflag:s23] =	dma.local [hbm:s7], s21  }
0xa0: {  	_ =	swait.ge [sflag:s23], s21  }
0xa1: {  	s6 =	ssub.s32 $0x0, s21;
	[sflag:s23] =	ssyncset.done $0x0  }
0xa2: {  	[sflag:s23] =	ssyncadd.s32 s6;
	_ =	sdelay $0x1  }
0xa3: {  	s24 =	simm.s32 $0x1B8B  }
0xa4: {  	_ =	swait.ge [sflag:s24], $0x1  }
0xa5: {  	[sflag:s24] =	ssyncset.done $0x0  }
0xa6: {  	s25 =	simm.s32 $0x1B8E;
	[sflag:s24] =	ssyncadd.s32 $0xFFFFFFFF  }
0xa7: {  	s26 =	simm.s32 $execute0_lowered;
	[smem:$0x3FD2] =	sst s25  }
0xa8: {  	s6 =	sshll.u32 s26, $0x1;
	_ =	strace $0x80000046;
	[dreg:$0x1] =	wrdreg $0xFFFFFFFF  }
0xa9: {  	s28 =	simm.s32 $_size_execute0_lowered;
	s5 =	sadd.s32 s5, s6;
	[dreg:$0x0] =	wrdreg $0x0  }
0xaa: {  	s6 =	sshll.u32 s28, $0x1;
	[dreg:$0x2] =	wrdreg s5  }
0xab: {  	[dreg:$0x3] =	wrdreg s6  }
0xac: {  	[dreg:$0x4] =	wrdreg $0xC0  }
0xad: {  	_ =	task [dreg:s9], $0x5FFFF  }
0xae: {  	[dreg:$0x1] =	wrdreg $0xFFFFFFFF  }
0xaf: {  	[dreg:$0x0] =	wrdreg $0x60  }
0xb0: {  	[dreg:$0x2] =	wrdreg s2  }
0xb1: {  	[dreg:$0x3] =	wrdreg s19  }
0xb2: {  	[dreg:$0x4] =	wrdreg s4  }
0xb3: {  	[dreg:$0x5] =	wrdreg $0x9  }
0xb4: {  	_ =	task.clear_ibuf [dreg:s9], $0x6FFFF;
	_ =	strace $0x90000046  }
0xb5: {  	s29 =	simm.s32 $0x9;
	_ =	strace $0x80000048  }
0xb6: {  	_ =	swait.ge [sflag:s29], $0x1  }
0xb7: {  	[sflag:s29] =	ssyncadd.s32 $0xFFFFFFFF  }
0xb8: {  	_ =	strace $0x90000048  }
0xb9: {  	_ =	sfence  }
0xba: {  	s30 =	sld [smem:$0x0];
	_ =	sdelay $0x2  }
0xbb: {  	s31 =	sshll.u32 s1, $0xD;
	s1 =	sshrl.u32 s1, $0x2  }
0xbc: {  	s3 =	sand.u32 $0x4000, s31;
	s1 =	sadd.s32 s1, s30  }
0xbd: {  	s0 =	sor.u32 s3, s0;
	s1 =	sshll.u32 s1, $0x11  }
0xbe: {  	s0 =	sor.u32 s1, s0  }
0xbf: {  	s0 =	sadd.s32 $0x8F2B, s0  }
0xc0: {  	[sflag:s0] =	ssyncadd.remote.s32 $0x1  }
0xc1: {  	_ =	sfence.sel $0xFFFF  }
0xc2: {  	[dreg:$0x0] =	wrdreg $0xFFFFFFFF;
	(pc) =	sbr.abs _section_cstart, $3  }
0xc3: {  	[dreg:$0x1] =	wrdreg $0xFFFFFFFF  }
0xc4: {  	_ =	task.clear_ibuf [dreg:s9], $0x2FFFF;
	_ =	strace $0x9FFFFFFF  }
0xc5: {  	(tm) =	ssettm $0x7FFFFFFF  }
tec
execute0_lowered:
.L_overlay_start_1:
0x0: {  	(tag) =	ssettag $0x1  }
0x1: {  	s0 =	rddreg [dreg:$0x0]  }
0x2: {  	s1 =	rddreg [dreg:$0x1]  }
0x3: {  	s2 =	rddreg [dreg:$0x2];
	s11 =	simm.s32 $0x0;
	s3 =	srdreg.scid  }
0x4: {  	s4 =	stileid.u32;
	s13 =	simm.s32 $0x2;
	s14 =	simm.s32 $0x280  }
0x5: {  	s15 =	simm.s32 $0x2280;
	s21 =	simm.s32 $0x4280;
	s16 =	simm.s32 $0x6280  }
0x6: {  	s22 =	simm.s32 $0x8280;
	s17 =	simm.s32 $0xA280;
	s23 =	simm.s32 $0xC280  }
0x7: {  	s18 =	simm.s32 $0x1;
	s7 =	simm.s32 $0x6A80;
	s8 =	simm.s32 $0x7280  }
0x8: {  	s9 =	simm.s32 $0x8A80;
	s19 =	simm.s32 $0x7A80;
	s10 =	simm.s32 $0x9280  }
0x9: {  	s20 =	simm.s32 $0x9A80;
	s28 =	simm.s32 $0xDA80;
	s29 =	simm.s32 $0xEA80  }
0xa: {  	s30 =	simm.s32 $0xF280;
	s31 =	simm.s32 $0xFA80;
	s3 =	sand.u32 $0x1, s3  }
0xb: {  	[smem:$0x7FF] =	sst s11;
	s4 =	sshll.u32 s4, $0x1;
	s5 =	ssub.s32 $0x2, s3  }
0xc: {  	_ =	strace $0x80000047;
	s3 =	sor.u32 s3, s4;
	s24 =	sshrl.u32 s5, $0x1  }
0xd: {  	s6 =	sshll.u32 s3, $0x6;
	s3 =	sshll.u32 s3, $0xC;
	s4 =	ssub.s32 s5, s24  }
0xe: {  	s0 =	sadd.s32 s0, s6;
	s25 =	sadd.s32 s2, s3;
	s24 =	simm.s32 $0xE280  }
0xf: {  	s2 =	simm.s32 $0x3280;
	s3 =	simm.s32 $0x3A80;
	[dreg:$0x4] =	wrdreg s0  }
0x10: {  	s5 =	simm.s32 $0x5280;
	s6 =	simm.s32 $0x5A80;
	[dreg:$0x5] =	wrdreg s25  }
0x11: {  	v0 =	vlaneseq.u32;
	s26 =	smax.u32 s4, $0x1;
	s0 =	simm.s32 $0x0;
	s4 =	simm.s32 $0x4A80  }
0x12: {  	v0 =	vmul.u32 $0x80, v0;
	s25 =	simm.s32 $0xB280;
	[dreg:$0x6] =	wrdreg s26;
	s26 =	simm.s32 $0xCA80  }
.LBB2_1:
0x13: {  	[dreg:$0x7] =	wrdreg s0  }
0x14: {  	s12 =	rddreg [dreg:$0x4]  }
0x15: {  	[tilespmem:s11], [sflag:$0x2] =	stream.linear.gather [hbm4b:s12+s11], $0x200, $0x38;
	[tilespmem:$0x18280] =	vst v63  }
0x16: {  	_ =	swait.ge [sflag:s13], $0x200  }
0x17: {  	[sflag:s13] =	ssyncset.done $0x0  }
0x18: {  	[sflag:s13] =	ssyncadd.s32 $0xFFFFFE00  }
0x19: {  	v1 =	vld [tilespmem:$0x0];
	_ =	sdelay $0x4  }
0x1a: {  	(v2sf) =	vpush v1, $0x0;
	_ =	sdelay $0xe  }
0x1b: {  	s13 =	spop (v2sf)  }
0x1c: {  	s11 =	sand.u32 $0xFFFFF80, s13  }
0x1d: {  	s12 =	simm.s32 $0x400;
	s13 =	simm.s32 $0x7A1400;
	s11 =	sadd.s32 s1, s11  }
0x1e: {  	[tilespmem:s14], [sflag:$0x1] =	stream.strided.gather [hbm4b:s11+s12], $0x2000, s13, s12, $0x38;
	[tilespmem:$0x18280] =	vst v63  }
0x1f: {  	v1 =	vld [tilespmem:$0x1];
	_ =	sdelay $0x4  }
0x20: {  	(v2sf) =	vpush v1, $0x0;
	_ =	sdelay $0xe  }
0x21: {  	s0 =	spop (v2sf)  }
0x22: {  	s11 =	sand.u32 $0xFFFFF80, s0  }
0x23: {  	s11 =	sadd.s32 s1, s11  }
0x24: {  	[tilespmem:s15], [sflag:$0x1] =	stream.strided.gather [hbm4b:s11+s12], $0x2000, s13, s12, $0x38;
	[tilespmem:$0x18280] =	vst v63  }
0x25: {  	v1 =	vld [tilespmem:$0x2];
	_ =	sdelay $0x4  }
0x26: {  	(v2sf) =	vpush v1, $0x0;
	_ =	sdelay $0xe  }
0x27: {  	s0 =	spop (v2sf)  }
0x28: {  	s11 =	sand.u32 $0xFFFFF80, s0  }
0x29: {  	s11 =	sadd.s32 s1, s11  }
0x2a: {  	[tilespmem:s21], [sflag:$0x1] =	stream.strided.gather [hbm4b:s11+s12], $0x2000, s13, s12, $0x38;
	[tilespmem:$0x18280] =	vst v63  }
0x2b: {  	v1 =	vld [tilespmem:$0x3];
	_ =	sdelay $0x4  }
0x2c: {  	(v2sf) =	vpush v1, $0x0;
	_ =	sdelay $0xe  }
0x2d: {  	s15 =	spop (v2sf)  }
0x2e: {  	s11 =	sand.u32 $0xFFFFF80, s15  }
0x2f: {  	s11 =	sadd.s32 s1, s11  }
0x30: {  	[tilespmem:s16], [sflag:$0x1] =	stream.strided.gather [hbm4b:s11+s12], $0x2000, s13, s12, $0x38;
	[tilespmem:$0x18280] =	vst v63  }
0x31: {  	v1 =	vld [tilespmem:$0x4];
	_ =	sdelay $0x4  }
0x32: {  	(v2sf) =	vpush v1, $0x0;
	_ =	sdelay $0xe  }
0x33: {  	s16 =	spop (v2sf)  }
0x34: {  	s11 =	sand.u32 $0xFFFFF80, s16  }
0x35: {  	s11 =	sadd.s32 s1, s11  }
0x36: {  	[tilespmem:s22], [sflag:$0x1] =	stream.strided.gather [hbm4b:s11+s12], $0x2000, s13, s12, $0x38;
	[tilespmem:$0x18280] =	vst v63  }
0x37: {  	v1 =	vld [tilespmem:$0x5];
	_ =	sdelay $0x4  }
0x38: {  	(v2sf) =	vpush v1, $0x0;
	_ =	sdelay $0xe  }
0x39: {  	s21 =	spop (v2sf)  }
0x3a: {  	s11 =	sand.u32 $0xFFFFF80, s21  }
0x3b: {  	s11 =	sadd.s32 s1, s11  }
0x3c: {  	[tilespmem:s17], [sflag:$0x1] =	stream.strided.gather [hbm4b:s11+s12], $0x2000, s13, s12, $0x38;
	[tilespmem:$0x18280] =	vst v63  }
0x3d: {  	v1 =	vld [tilespmem:$0x6];
	_ =	sdelay $0x4  }
0x3e: {  	(v2sf) =	vpush v1, $0x0;
	_ =	sdelay $0xe  }
0x3f: {  	s22 =	spop (v2sf)  }
0x40: {  	s11 =	sand.u32 $0xFFFFF80, s22  }
0x41: {  	s11 =	sadd.s32 s1, s11  }
0x42: {  	[tilespmem:s23], [sflag:$0x1] =	stream.strided.gather [hbm4b:s11+s12], $0x2000, s13, s12, $0x38;
	[tilespmem:$0x18280] =	vst v63  }
0x43: {  	v1 =	vld [tilespmem:$0x7];
	_ =	sdelay $0x4  }
0x44: {  	(v2sf) =	vpush v1, $0x0;
	_ =	sdelay $0xe  }
0x45: {  	s23 =	spop (v2sf)  }
0x46: {  	s0 =	simm.s32 $0x2A80;
	s11 =	sand.u32 $0xFFFFF80, s23  }
0x47: {  	s15 =	simm.s32 $0xAA80;
	s16 =	simm.s32 $0xBA80;
	s11 =	sadd.s32 s1, s11  }
0x48: {  	[tilespmem:s24], [sflag:$0x1] =	stream.strided.gather [hbm4b:s11+s12], $0x2000, s13, s12, $0x38;
	[tilespmem:$0x18280] =	vst v63  }
0x49: {  	s21 =	simm.s32 $0x0;
	s17 =	simm.s32 $0xD280;
	s11 =	simm.s32 $0x10380  }
.LBB2_2:
0x4a: {  	_ =	swait.ge [sflag:s18], $0x2000  }
0x4b: {  	[sflag:s18] =	ssyncset.done $0x0  }
0x4c: {  	s12 =	sshra.s32 s21, $0x2;
	[sflag:s18] =	ssyncadd.s32 $0xFFFFE000  }
0x4d: {  	v1 =	vld [tilespmem:s12+$0x0];
	_ =	sdelay $0x4  }
0x4e: {  	(v2sf) =	vpush v1, $0x0;
	_ =	sdelay $0xe  }
0x4f: {  	s13 =	spop (v2sf)  }
0x50: {  	s13 =	sand.u32 $0x7F, s13  }
0x51: {  	v1 =	vor.u32 s13, v0;
	_ =	sdelay $0x4  }
0x52: {  	v2 =	vld.idx.msk [tilespmem:v1+s14+$0x0], $0xffff;
	_ =	sdelay $0x4  }
0x53: {  	s14 =	simm.s32 $0xA80;
	[tilespmem:s11+$0xFFFFFF00] =	vst v2  }
0x54: {  	v2 =	vld.idx.msk [tilespmem:v1+s14+$0x0], $0xffff;
	_ =	sdelay $0x4  }
0x55: {  	s22 =	simm.s32 $0x1280;
	[tilespmem:s11+$0xFFFFFF10] =	vst v2  }
0x56: {  	v2 =	vld.idx.msk [tilespmem:v1+s22+$0x0], $0xffff;
	_ =	sdelay $0x4  }
0x57: {  	s23 =	simm.s32 $0x1A80;
	[tilespmem:s11+$0xFFFFFF20] =	vst v2  }
0x58: {  	v1 =	vld.idx.msk [tilespmem:v1+s23+$0x0], $0xffff;
	_ =	sdelay $0x3  }
0x59: {  	p0 =	seq.s32 s21, $0x7E0  }
0x5a: {  	s22 =	sshra.s32 @!p0 s21, $0x2;
	[tilespmem:s11+$0xFFFFFF30] =	vst v1  }
0x5b: {  	v1 =	vld @!p0 [tilespmem:s22+$0x8];
	_ =	sdelay $0x4  }
0x5c: {  	(v2sf) =	vpush @!p0 v1, $0x0;
	_ =	sdelay $0xe  }
0x5d: {  	s13 =	spop @!p0 (v2sf)  }
0x5e: {  	s24 =	simm.s32 @!p0 $0x280;
	s13 =	sand.u32 @!p0 $0xFFFFF80, s13  }
0x5f: {  	s23 =	simm.s32 @!p0 $0x7A1400;
	s14 =	sadd.s32 @!p0 s1, s13;
	s13 =	simm.s32 @!p0 $0x400  }
0x60: {  	[tilespmem:s24], [sflag:$0x1] =	stream.strided.gather @!p0 [hbm4b:s14+s13], $0x2000, s23, s13, $0x38;
	[tilespmem:$0x18280] =	vst v63  }
0x61: {  	_ =	swait.ge [sflag:s18], $0x2000  }
0x62: {  	[sflag:s18] =	ssyncset.done $0x0  }
0x63: {  	[sflag:s18] =	ssyncadd.s32 $0xFFFFE000  }
0x64: {  	v1 =	vld [tilespmem:s12+$0x1];
	_ =	sdelay $0x4  }
0x65: {  	(v2sf) =	vpush v1, $0x0;
	_ =	sdelay $0xe  }
0x66: {  	s24 =	spop (v2sf)  }
0x67: {  	s14 =	sand.u32 $0x7F, s24  }
0x68: {  	v1 =	vor.u32 s14, v0;
	_ =	sdelay $0x3  }
0x69: {  	s24 =	simm.s32 $0x2280  }
0x6a: {  	v2 =	vld.idx.msk [tilespmem:v1+s24+$0x0], $0xffff;
	_ =	sdelay $0x4  }
0x6b: {  	[tilespmem:s11+$0xFFFFFF40] =	vst v2  }
0x6c: {  	v2 =	vld.idx.msk [tilespmem:v1+s0+$0x0], $0xffff;
	_ =	sdelay $0x4  }
0x6d: {  	[tilespmem:s11+$0xFFFFFF50] =	vst v2  }
0x6e: {  	v2 =	vld.idx.msk [tilespmem:v1+s2+$0x0], $0xffff;
	_ =	sdelay $0x4  }
0x6f: {  	[tilespmem:s11+$0xFFFFFF60] =	vst v2  }
0x70: {  	v1 =	vld.idx.msk [tilespmem:v1+s3+$0x0], $0xffff;
	_ =	sdelay $0x4  }
0x71: {  	[tilespmem:s11+$0xFFFFFF70] =	vst v1  }
0x72: {  	v1 =	vld @!p0 [tilespmem:s22+$0x9];
	_ =	sdelay $0x4  }
0x73: {  	(v2sf) =	vpush @!p0 v1, $0x0;
	_ =	sdelay $0xe  }
0x74: {  	s14 =	spop @!p0 (v2sf)  }
0x75: {  	s14 =	sand.u32 @!p0 $0xFFFFF80, s14  }
0x76: {  	s24 =	simm.s32 @!p0 $0x2280;
	s14 =	sadd.s32 @!p0 s1, s14  }
0x77: {  	[tilespmem:s24], [sflag:$0x1] =	stream.strided.gather @!p0 [hbm4b:s14+s13], $0x2000, s23, s13, $0x38;
	[tilespmem:$0x18280] =	vst v63  }
0x78: {  	_ =	swait.ge [sflag:s18], $0x2000  }
0x79: {  	[sflag:s18] =	ssyncset.done $0x0  }
0x7a: {  	[sflag:s18] =	ssyncadd.s32 $0xFFFFE000  }
0x7b: {  	v1 =	vld [tilespmem:s12+$0x2];
	_ =	sdelay $0x4  }
0x7c: {  	(v2sf) =	vpush v1, $0x0;
	_ =	sdelay $0xe  }
0x7d: {  	s24 =	spop (v2sf)  }
0x7e: {  	s14 =	sand.u32 $0x7F, s24  }
0x7f: {  	v1 =	vor.u32 s14, v0;
	_ =	sdelay $0x3  }
0x80: {  	s24 =	simm.s32 $0x4280  }
0x81: {  	v2 =	vld.idx.msk [tilespmem:v1+s24+$0x0], $0xffff;
	_ =	sdelay $0x4  }
0x82: {  	[tilespmem:s11+$0xFFFFFF80] =	vst v2  }
0x83: {  	v2 =	vld.idx.msk [tilespmem:v1+s4+$0x0], $0xffff;
	_ =	sdelay $0x4  }
0x84: {  	[tilespmem:s11+$0xFFFFFF90] =	vst v2  }
0x85: {  	v2 =	vld.idx.msk [tilespmem:v1+s5+$0x0], $0xffff;
	_ =	sdelay $0x4  }
0x86: {  	[tilespmem:s11+$0xFFFFFFA0] =	vst v2  }
0x87: {  	v1 =	vld.idx.msk [tilespmem:v1+s6+$0x0], $0xffff;
	_ =	sdelay $0x4  }
0x88: {  	[tilespmem:s11+$0xFFFFFFB0] =	vst v1  }
0x89: {  	v1 =	vld @!p0 [tilespmem:s22+$0xA];
	_ =	sdelay $0x4  }
0x8a: {  	(v2sf) =	vpush @!p0 v1, $0x0;
	_ =	sdelay $0xe  }
0x8b: {  	s14 =	spop @!p0 (v2sf)  }
0x8c: {  	s14 =	sand.u32 @!p0 $0xFFFFF80, s14  }
0x8d: {  	s24 =	simm.s32 @!p0 $0x4280;
	s14 =	sadd.s32 @!p0 s1, s14  }
0x8e: {  	[tilespmem:s24], [sflag:$0x1] =	stream.strided.gather @!p0 [hbm4b:s14+s13], $0x2000, s23, s13, $0x38;
	[tilespmem:$0x18280] =	vst v63  }
0x8f: {  	_ =	swait.ge [sflag:s18], $0x2000  }
0x90: {  	[sflag:s18] =	ssyncset.done $0x0  }
0x91: {  	[sflag:s18] =	ssyncadd.s32 $0xFFFFE000  }
0x92: {  	v1 =	vld [tilespmem:s12+$0x3];
	_ =	sdelay $0x4  }
0x93: {  	(v2sf) =	vpush v1, $0x0;
	_ =	sdelay $0xe  }
0x94: {  	s24 =	spop (v2sf)  }
0x95: {  	s14 =	sand.u32 $0x7F, s24  }
0x96: {  	v1 =	vor.u32 s14, v0;
	_ =	sdelay $0x3  }
0x97: {  	s24 =	simm.s32 $0x6280  }
0x98: {  	v2 =	vld.idx.msk [tilespmem:v1+s24+$0x0], $0xffff;
	_ =	sdelay $0x4  }
0x99: {  	[tilespmem:s11+$0xFFFFFFC0] =	vst v2  }
0x9a: {  	v2 =	vld.idx.msk [tilespmem:v1+s7+$0x0], $0xffff;
	_ =	sdelay $0x4  }
0x9b: {  	[tilespmem:s11+$0xFFFFFFD0] =	vst v2  }
0x9c: {  	v2 =	vld.idx.msk [tilespmem:v1+s8+$0x0], $0xffff;
	_ =	sdelay $0x4  }
0x9d: {  	[tilespmem:s11+$0xFFFFFFE0] =	vst v2  }
0x9e: {  	v1 =	vld.idx.msk [tilespmem:v1+s19+$0x0], $0xffff;
	_ =	sdelay $0x4  }
0x9f: {  	[tilespmem:s11+$0xFFFFFFF0] =	vst v1  }
0xa0: {  	v1 =	vld @!p0 [tilespmem:s22+$0xB];
	_ =	sdelay $0x4  }
0xa1: {  	(v2sf) =	vpush @!p0 v1, $0x0;
	_ =	sdelay $0xe  }
0xa2: {  	s14 =	spop @!p0 (v2sf)  }
0xa3: {  	s14 =	sand.u32 @!p0 $0xFFFFF80, s14  }
0xa4: {  	s24 =	simm.s32 @!p0 $0x6280;
	s14 =	sadd.s32 @!p0 s1, s14  }
0xa5: {  	[tilespmem:s24], [sflag:$0x1] =	stream.strided.gather @!p0 [hbm4b:s14+s13], $0x2000, s23, s13, $0x38;
	[tilespmem:$0x18280] =	vst v63  }
0xa6: {  	_ =	swait.ge [sflag:s18], $0x2000  }
0xa7: {  	[sflag:s18] =	ssyncset.done $0x0  }
0xa8: {  	[sflag:s18] =	ssyncadd.s32 $0xFFFFE000  }
0xa9: {  	v1 =	vld [tilespmem:s12+$0x4];
	_ =	sdelay $0x4  }
0xaa: {  	(v2sf) =	vpush v1, $0x0;
	_ =	sdelay $0xe  }
0xab: {  	s24 =	spop (v2sf)  }
0xac: {  	s14 =	sand.u32 $0x7F, s24  }
0xad: {  	v1 =	vor.u32 s14, v0;
	_ =	sdelay $0x3  }
0xae: {  	s24 =	simm.s32 $0x8280  }
0xaf: {  	v2 =	vld.idx.msk [tilespmem:v1+s24+$0x0], $0xffff;
	_ =	sdelay $0x4  }
0xb0: {  	[tilespmem:s11+$0x0] =	vst v2  }
0xb1: {  	v2 =	vld.idx.msk [tilespmem:v1+s9+$0x0], $0xffff;
	_ =	sdelay $0x4  }
0xb2: {  	[tilespmem:s11+$0x10] =	vst v2  }
0xb3: {  	v2 =	vld.idx.msk [tilespmem:v1+s10+$0x0], $0xffff;
	_ =	sdelay $0x4  }
0xb4: {  	[tilespmem:s11+$0x20] =	vst v2  }
0xb5: {  	v1 =	vld.idx.msk [tilespmem:v1+s20+$0x0], $0xffff;
	_ =	sdelay $0x4  }
0xb6: {  	[tilespmem:s11+$0x30] =	vst v1  }
0xb7: {  	v1 =	vld @!p0 [tilespmem:s22+$0xC];
	_ =	sdelay $0x4  }
0xb8: {  	(v2sf) =	vpush @!p0 v1, $0x0;
	_ =	sdelay $0xe  }
0xb9: {  	s14 =	spop @!p0 (v2sf)  }
0xba: {  	s14 =	sand.u32 @!p0 $0xFFFFF80, s14  }
0xbb: {  	s24 =	simm.s32 @!p0 $0x8280;
	s14 =	sadd.s32 @!p0 s1, s14  }
0xbc: {  	[tilespmem:s24], [sflag:$0x1] =	stream.strided.gather @!p0 [hbm4b:s14+s13], $0x2000, s23, s13, $0x38;
	[tilespmem:$0x18280] =	vst v63  }
0xbd: {  	_ =	swait.ge [sflag:s18], $0x2000  }
0xbe: {  	[sflag:s18] =	ssyncset.done $0x0  }
0xbf: {  	[sflag:s18] =	ssyncadd.s32 $0xFFFFE000  }
0xc0: {  	v1 =	vld [tilespmem:s12+$0x5];
	_ =	sdelay $0x4  }
0xc1: {  	(v2sf) =	vpush v1, $0x0;
	_ =	sdelay $0xe  }
0xc2: {  	s24 =	spop (v2sf)  }
0xc3: {  	s14 =	sand.u32 $0x7F, s24  }
0xc4: {  	v1 =	vor.u32 s14, v0;
	_ =	sdelay $0x3  }
0xc5: {  	s24 =	simm.s32 $0xA280  }
0xc6: {  	v2 =	vld.idx.msk [tilespmem:v1+s24+$0x0], $0xffff;
	_ =	sdelay $0x4  }
0xc7: {  	[tilespmem:s11+$0x40] =	vst v2  }
0xc8: {  	v2 =	vld.idx.msk [tilespmem:v1+s15+$0x0], $0xffff;
	_ =	sdelay $0x4  }
0xc9: {  	[tilespmem:s11+$0x50] =	vst v2  }
0xca: {  	v2 =	vld.idx.msk [tilespmem:v1+s25+$0x0], $0xffff;
	_ =	sdelay $0x4  }
0xcb: {  	[tilespmem:s11+$0x60] =	vst v2  }
0xcc: {  	v1 =	vld.idx.msk [tilespmem:v1+s16+$0x0], $0xffff;
	_ =	sdelay $0x4  }
0xcd: {  	[tilespmem:s11+$0x70] =	vst v1  }
0xce: {  	v1 =	vld @!p0 [tilespmem:s22+$0xD];
	_ =	sdelay $0x4  }
0xcf: {  	(v2sf) =	vpush @!p0 v1, $0x0;
	_ =	sdelay $0xe  }
0xd0: {  	s14 =	spop @!p0 (v2sf)  }
0xd1: {  	s14 =	sand.u32 @!p0 $0xFFFFF80, s14  }
0xd2: {  	s24 =	simm.s32 @!p0 $0xA280;
	s14 =	sadd.s32 @!p0 s1, s14  }
0xd3: {  	[tilespmem:s24], [sflag:$0x1] =	stream.strided.gather @!p0 [hbm4b:s14+s13], $0x2000, s23, s13, $0x38;
	[tilespmem:$0x18280] =	vst v63  }
0xd4: {  	_ =	swait.ge [sflag:s18], $0x2000  }
0xd5: {  	[sflag:s18] =	ssyncset.done $0x0  }
0xd6: {  	[sflag:s18] =	ssyncadd.s32 $0xFFFFE000  }
0xd7: {  	v1 =	vld [tilespmem:s12+$0x6];
	_ =	sdelay $0x4  }
0xd8: {  	(v2sf) =	vpush v1, $0x0;
	_ =	sdelay $0xe  }
0xd9: {  	s24 =	spop (v2sf)  }
0xda: {  	s14 =	sand.u32 $0x7F, s24  }
0xdb: {  	v1 =	vor.u32 s14, v0;
	_ =	sdelay $0x3  }
0xdc: {  	s24 =	simm.s32 $0xC280  }
0xdd: {  	v2 =	vld.idx.msk [tilespmem:v1+s24+$0x0], $0xffff;
	_ =	sdelay $0x4  }
0xde: {  	[tilespmem:s11+$0x80] =	vst v2  }
0xdf: {  	v2 =	vld.idx.msk [tilespmem:v1+s26+$0x0], $0xffff;
	_ =	sdelay $0x4  }
0xe0: {  	[tilespmem:s11+$0x90] =	vst v2  }
0xe1: {  	v2 =	vld.idx.msk [tilespmem:v1+s17+$0x0], $0xffff;
	_ =	sdelay $0x4  }
0xe2: {  	[tilespmem:s11+$0xA0] =	vst v2  }
0xe3: {  	v1 =	vld.idx.msk [tilespmem:v1+s28+$0x0], $0xffff;
	_ =	sdelay $0x4  }
0xe4: {  	[tilespmem:s11+$0xB0] =	vst v1  }
0xe5: {  	v1 =	vld @!p0 [tilespmem:s22+$0xE];
	_ =	sdelay $0x4  }
0xe6: {  	(v2sf) =	vpush @!p0 v1, $0x0;
	_ =	sdelay $0xe  }
0xe7: {  	s14 =	spop @!p0 (v2sf)  }
0xe8: {  	s14 =	sand.u32 @!p0 $0xFFFFF80, s14  }
0xe9: {  	s24 =	simm.s32 @!p0 $0xC280;
	s14 =	sadd.s32 @!p0 s1, s14  }
0xea: {  	[tilespmem:s24], [sflag:$0x1] =	stream.strided.gather @!p0 [hbm4b:s14+s13], $0x2000, s23, s13, $0x38;
	[tilespmem:$0x18280] =	vst v63  }
0xeb: {  	_ =	swait.ge [sflag:s18], $0x2000  }
0xec: {  	[sflag:s18] =	ssyncset.done $0x0  }
0xed: {  	[sflag:s18] =	ssyncadd.s32 $0xFFFFE000  }
0xee: {  	v1 =	vld [tilespmem:s12+$0x7];
	_ =	sdelay $0x4  }
0xef: {  	(v2sf) =	vpush v1, $0x0;
	_ =	sdelay $0xe  }
0xf0: {  	s14 =	spop (v2sf)  }
0xf1: {  	s12 =	sand.u32 $0x7F, s14  }
0xf2: {  	v1 =	vor.u32 s12, v0;
	_ =	sdelay $0x3  }
0xf3: {  	s24 =	simm.s32 $0xE280  }
0xf4: {  	v2 =	vld.idx.msk [tilespmem:v1+s24+$0x0], $0xffff;
	_ =	sdelay $0x4  }
0xf5: {  	[tilespmem:s11+$0xC0] =	vst v2  }
0xf6: {  	v2 =	vld.idx.msk [tilespmem:v1+s29+$0x0], $0xffff;
	_ =	sdelay $0x4  }
0xf7: {  	[tilespmem:s11+$0xD0] =	vst v2  }
0xf8: {  	v2 =	vld.idx.msk [tilespmem:v1+s30+$0x0], $0xffff;
	_ =	sdelay $0x4  }
0xf9: {  	[tilespmem:s11+$0xE0] =	vst v2  }
0xfa: {  	v1 =	vld.idx.msk [tilespmem:v1+s31+$0x0], $0xffff;
	_ =	sdelay $0x4  }
0xfb: {  	[tilespmem:s11+$0xF0] =	vst v1  }
0xfc: {  	v1 =	vld @!p0 [tilespmem:s22+$0xF];
	_ =	sdelay $0x4  }
0xfd: {  	(v2sf) =	vpush @!p0 v1, $0x0;
	_ =	sdelay $0xb  }
0xfe: {  	s21 =	sadd.s32 @!p0 $0x20, s21  }
0xff: {  	p1 =	sne.s32 @!p0 s21, $0x800  }
0x100: {  	p1 =	por p0, !p1  }
.Ltmp0:
0x101: {  	s12 =	spop @!p0 (v2sf);
	(pc) =	sbr.rel @!p1 .LBB2_2-.Ltmp0, $4  }
0x102: {  	s12 =	sand.u32 @!p0 $0xFFFFF80, s12  }
0x103: {  	s14 =	simm.s32 @!p0 $0xE280;
	s12 =	sadd.s32 @!p0 s1, s12  }
0x104: {  	[tilespmem:s14], [sflag:$0x1] =	stream.strided.gather @!p0 [hbm4b:s12+s13], $0x2000, s23, s13, $0x38;
	[tilespmem:$0x18280] =	vst v63  }
0x105: {  	s11 =	sadd.s32 @!p0 $0x200, s11;
	s14 =	simm.s32 $0x280  }
0x106: {  	s11 =	simm.s32 $0x0  }
0x107: {  	s12 =	rddreg [dreg:$0x5];
	s0 =	simm.s32 $0x10280;
	s13 =	simm.s32 $0x2  }
0x108: {  	[hbm4b:s12+s11] =	stream.linear.scatter [tilespmem:s0], [sflag:$0x2], $0x8000, $0x38;
	[tilespmem:$0x18280] =	vst v63  }
0x109: {  	_ =	swait.ge [sflag:s13], $0x8000  }
0x10a: {  	s22 =	rddreg [dreg:$0x7]  }
0x10b: {  	s23 =	rddreg [dreg:$0x6];
	s0 =	sadd.s32 $0x1, s22  }
0x10c: {  	p0 =	sne.s32 s0, s23  }
.Ltmp1:
0x10d: {  	_ = 	snop;
	(pc) =	sbr.rel @p0 .LBB2_1-.Ltmp1, $4  }
0x10e: {  	_ = 	snop  }
0x10f: {  	s15 =	simm.s32 $0x2280;
	s21 =	simm.s32 $0x4280  }
0x110: {  	s16 =	simm.s32 $0x6280;
	s17 =	simm.s32 $0xA280;
	[sflag:s13] =	ssyncset.done $0x0  }
0x111: {  	[sflag:s13] =	ssyncadd.s32 $0xFFFF8000;
	s22 =	simm.s32 $0x8280;
	s23 =	simm.s32 $0xC280  }
0x112: {  	_ =	sfence.sel $0x180000  }
0x113: {  	[bflag:$0x0] =	sbarrier.arrive $0xFFFF  }
0x114: {  	_ =	strace $0x90000047  }
0x115: {  	s0 =	stileid.u32;
	[bflag:$0x2] =	sbarrier.arrive $0xFFFF  }
0x116: {  	p0 =	sne.s32 s0, $0x0;
	s0 =	rddreg [dreg:$0x3]  }
0x117: {  	s0 =	sadd.s32 @!p0 $0x100000, s0  }
0x118: {  	[sflag:s0] =	ssyncadd.tile.s32 @!p0 $0x1;
	_ =	shalt  }
.Lfunc_end2:
_tile_overlayer_lowered:
.L_overlay_start_2:
0x119: {  	(tag) =	ssettag $0x2  }
0x11a: {  	s0 =	rddreg [dreg:$0x0];
	s2 =	stileid.u32  }
0x11b: {  	s1 =	rddreg [dreg:$0x1];
	p0 =	sne.s32 s2, $0x0  }
0x11c: {  	s3 =	rddreg [dreg:$0x2];
	[bflag:$0x3] =	sbarrier.arrive $0xFFFF;
	s2 =	simm.s32 @!p0 $0x1C02  }
0x11d: {  	[timem:s3], [sflag:s2] =	dma.local @!p0 [hbm:s0], s1  }
0x11e: {  	s0 =	simm.s32 @!p0 $0x2  }
0x11f: {  	_ =	swait.ge @!p0 [sflag:s0], s1  }
0x120: {  	s1 =	ssub.s32 @!p0 $0x0, s1;
	[sflag:s0] =	ssyncset.done @!p0 $0x0  }
0x121: {  	[sflag:s0] =	ssyncadd.s32 @!p0 s1  }
0x122: {  	[bflag:$0x3] =	sbarrier.arrive $0xFFFF  }
0x123: {  	_ =	shalt  }

</sc_bundles>
